<compile_context>
chip_gen: v7x
topology: tpu7x:2x2x1
jax: 0.10.2.dev20260603
libtpu: 0.0.44.dev20260713+nightly
codegen_flags: <defaults>
</compile_context>

<pallas_src>
import jax
import jax.numpy as jnp
from jax import lax
from jax.experimental import pallas as pl
from jax.experimental.pallas import tpu as pltpu
from jax.experimental.pallas import tpu_sc as plsc

N_ROWS = 3300001
FEAT = 16
NTYPES = 13
B, P, S = 8192, 16, 9

NC, NS, LANES = 2, 16, 16
NW = NC * NS
PAIRS_W = B // NW
PATHS_W = PAIRS_W * P
STEPS_W = PATHS_W * S
CHUNK = 128
CHUNKS = STEPS_W // CHUNK
WINDOW = 32

RB = 32768
NB = -(-N_ROWS // RB)


def _row_scores_body(vft_ref, vc_ref, w1p_ref, w2c_ref, out_ref):
    s = jnp.dot(w1p_ref[...], vft_ref[...],
                preferred_element_type=jnp.float32)
    s = s + w2c_ref[:, 0:1]
    cats = vc_ref[0]
    tid = lax.broadcasted_iota(jnp.int32, s.shape, 0)
    out_ref[0] = jnp.sum(jnp.where(tid == cats, s, 0.0), axis=0,
                         keepdims=True)


def _row_scores(Vf, Vc, W1, W2):
    w1p = jnp.pad(W1, ((0, 16 - NTYPES), (0, 0)))
    w2c = jnp.broadcast_to(jnp.pad(W2, ((0, 16 - NTYPES), (0, 0))),
                           (16, 128))
    vcl = jnp.pad(Vc, (0, NB * RB - N_ROWS)).reshape(NB, 1, RB)
    vft = Vf.T
    out = pl.pallas_call(
        _row_scores_body,
        grid=(NB,),
        in_specs=[
            pl.BlockSpec((FEAT, RB), lambda i: (0, i)),
            pl.BlockSpec((1, 1, RB), lambda i: (i, 0, 0)),
            pl.BlockSpec((16, FEAT), lambda i: (0, 0)),
            pl.BlockSpec((16, 128), lambda i: (0, 0)),
        ],
        out_specs=pl.BlockSpec((1, 1, RB), lambda i: (i, 0, 0)),
        out_shape=jax.ShapeDtypeStruct((NB, 1, RB), jnp.float32),
    )(vft, vcl, w1p, w2c)
    return out.reshape(NB * RB)


def _sc_body(steps_hbm, r_hbm, b_hbm, out_hbm,
             idx_v, vals_v, acc_v, out_v, b_v, sem):
    w = lax.axis_index("s") * NC + lax.axis_index("c")

    pltpu.sync_copy(steps_hbm.at[w], idx_v)
    pltpu.sync_copy(b_hbm, b_v)

    def mk(i):
        return pltpu.make_async_copy(
            r_hbm.at[idx_v.at[i]], vals_v.at[pl.ds(i * CHUNK, CHUNK)], sem)

    def fire(i, c):
        mk(i).start()
        return c

    def roll(i, c):
        mk(i).start()
        mk(i - WINDOW).wait()
        return c

    def drain(i, c):
        mk(i).wait()
        return c

    lax.fori_loop(0, WINDOW, fire, 0)
    lax.fori_loop(WINDOW, CHUNKS, roll, 0)
    lax.fori_loop(CHUNKS - WINDOW, CHUNKS, drain, 0)

    iota = lax.iota(jnp.int32, LANES)

    def psum(g, c):
        base = g * LANES
        flat0 = (base + iota) * S
        acc = plsc.load_gather(vals_v, [flat0])
        for s in range(1, S):
            acc = acc + plsc.load_gather(vals_v, [flat0 + s])
        acc_v[pl.ds(base, LANES)] = acc
        return c

    lax.fori_loop(0, PATHS_W // LANES, psum, 0)

    def pmax(g, c):
        base = g * (LANES * P)
        m = plsc.load_gather(acc_v, [base + iota * P])
        for j in range(1, P):
            m = jnp.maximum(m, plsc.load_gather(acc_v, [base + iota * P + j]))
        z = m + b_v[...]
        out_v[pl.ds(g * LANES, LANES)] = 1.0 / (1.0 + jnp.exp(-z))
        return c

    lax.fori_loop(0, PAIRS_W // LANES, pmax, 0)

    pltpu.sync_copy(out_v, out_hbm.at[pl.ds(w * PAIRS_W, PAIRS_W)])


def _sc_reduce_fn():
    return pl.kernel(
        _sc_body,
        out_type=jax.ShapeDtypeStruct((B,), jnp.float32),
        mesh=plsc.VectorSubcoreMesh(
            core_axis_name="c", subcore_axis_name="s",
            num_cores=NC, num_subcores=NS),
        scratch_types=[
            pltpu.VMEM((CHUNKS, CHUNK), jnp.int32),
            pltpu.VMEM((STEPS_W,), jnp.float32),
            pltpu.VMEM((PATHS_W,), jnp.float32),
            pltpu.VMEM((PAIRS_W,), jnp.float32),
            pltpu.VMEM((LANES,), jnp.float32),
            pltpu.SemaphoreType.DMA,
        ],
        compiler_params=pltpu.CompilerParams(needs_layout_passes=False),
    )


def kernel(all_steps, Vf, Vc, W1, W2, b):
    r = _row_scores(Vf, Vc.astype(jnp.int32), W1, W2)
    steps = all_steps.astype(jnp.int32).reshape(NW, CHUNKS, CHUNK)
    b16 = jnp.broadcast_to(b.astype(jnp.float32), (LANES,))
    return _sc_reduce_fn()(steps, r, b16)

# --- scband reference (transcript-rebuilt; emitter-appended) ---
"""Pipeline reference for scband-path-l-41566693491510 (READ-ONLY COPY).

The authoritative reference and input builder live on the scoring server;
editing this copy changes nothing except your own understanding.
"""

import jax, jax.numpy as jnp
import numpy as np

N_ROWS = 3300001   # n + m + 1 (100000 nodes + 3200000 edges + 1 padding row)
FEAT   = 16        # max_feat_dim
NTYPES = 13        # rho + ell + 1 (8 node types + 4 edge types + 1 padding type)
B, P, S = 8192, 16, 9  # pairs, paths per pair (dim_size), max_path_steps


def setup_inputs(seed: int = 0) -> dict:
    key = jax.random.key(seed)
    ks = jax.random.split(key, 6)
    # Flattened/padded path steps: indices into Vf/Vc. Padding entries point at the
    # last row (zero features, unique padding type), so any index in range is valid.
    all_steps = jax.random.randint(ks[0], (B, P, S), 0, N_ROWS, dtype=jnp.int64)
    Vf = jax.random.normal(ks[1], (N_ROWS, FEAT), dtype=jnp.float32)
    Vf = Vf.at[N_ROWS - 1].set(0.0)  # padding row has all-zero features
    Vc = jax.random.randint(ks[2], (N_ROWS,), 0, NTYPES, dtype=jnp.int64)
    Vc = Vc.at[N_ROWS - 1].set(NTYPES - 1)  # padding row has the unique padding type
    W1 = jax.random.normal(ks[3], (NTYPES, FEAT), dtype=jnp.float32) * 0.1
    W2 = jax.random.normal(ks[4], (NTYPES, 1), dtype=jnp.float32) * 0.1
    b = jnp.zeros((1,), dtype=jnp.float32)
    return {"all_steps": all_steps, "Vf": Vf, "Vc": Vc, "W1": W1, "W2": W2, "b": b}


def reference(all_steps, Vf, Vc, W1, W2, b):
    # Gather per-step features and types (the dominant memory-bound ops).
    feats = jnp.take(Vf, all_steps, axis=0)            # [B, P, S, FEAT]
    cats = jnp.take(Vc, all_steps, axis=0)             # [B, P, S]
    # Per-type feature weights and per-type constant weights, gathered by step type.
    w1 = jnp.take(W1, cats, axis=0)                    # [B, P, S, FEAT]
    w2 = jnp.take(W2, cats, axis=0)[..., 0]            # [B, P, S]
    # Step score: typed linear model on the step's features plus typed constant.
    step_scores = jnp.sum(w1 * feats, axis=-1) + w2    # [B, P, S]
    # Path score: sum of step scores along the path, plus global bias.
    path_scores = jnp.sum(step_scores, axis=-1) + b[0] # [B, P]
    # Pair score: best path per pair, squashed to a link probability.
    pair_scores = jnp.max(path_scores, axis=-1)        # [B]
    return jax.nn.sigmoid(pair_scores)

if __name__ == "__main__":
    import jax
    _d = setup_inputs()
    print(jax.jit(kernel)(*tuple(_d.values())))

</pallas_src>

<mosaic_0001>
#map = affine_map<(d0, d1) -> (0, 0, 0)>
#map1 = affine_map<(d0, d1) -> (0)>
module attributes {stable_mosaic.version = 14 : i64} {
  func.func @_sc_body(%arg0: i32, %arg1: i32, %arg2: memref<32x288x128xi32, #tpu.memory_space<hbm>>, %arg3: memref<3309568xf32, #tpu.memory_space<hbm>>, %arg4: memref<16xf32, #tpu.memory_space<hbm>>, %arg5: memref<8192xf32, #tpu.memory_space<hbm>>, %arg6: memref<288x128xi32, #tpu.memory_space<vmem>>, %arg7: memref<36864xf32, #tpu.memory_space<vmem>>, %arg8: memref<4096xf32, #tpu.memory_space<vmem>>, %arg9: memref<256xf32, #tpu.memory_space<vmem>>, %arg10: memref<16xf32, #tpu.memory_space<vmem>>, %arg11: memref<!tpu.dma_semaphore, #tpu.memory_space<semaphore_mem>>) attributes {dimension_semantics = [#tpu.dimension_semantics<core_parallel>, #tpu.dimension_semantics<subcore_parallel>], iteration_bounds = array<i64: 2, 16>, scalar_prefetch = 0 : i64, scratch_operands = 6 : i64, tpu.core_type = #tpu.core_type<sc_vector_subcore>, window_params = [{transform_indices = #map}, {transform_indices = #map1}, {transform_indices = #map1}, {transform_indices = #map1}]} {
    %mul3A = arith.constant 2 : i32
    %mul3A_0 = arith.muli %arg1, %mul3A : i32
    %add3A = arith.addi %mul3A_0, %arg0 : i32
    "tpu.region"() ({
      %run_scoped3A = tpu.sem_alloc : memref<!tpu.dma_semaphore, #tpu.memory_space<semaphore_mem>>
      %dma_start3A = arith.constant 0 : i32
      %dma_start3A_32 = arith.constant 0 : i32
      %dma_start3A_33 = tpu.memref_slice %arg2[%add3A, %dma_start3A, %dma_start3A_32] : memref<32x288x128xi32, #tpu.memory_space<hbm>> -> memref<1x288x128xi32, #tpu.memory_space<hbm>>
      %dma_start3A_34 = tpu.memref_squeeze %dma_start3A_33 : memref<1x288x128xi32, #tpu.memory_space<hbm>> -> memref<288x128xi32, #tpu.memory_space<hbm>>
      %dma_start3A_35 = arith.constant 0 : i32
      %dma_start3A_36 = arith.constant 0 : i32
      %dma_start3A_37 = tpu.memref_slice %arg2[%add3A, %dma_start3A_35, %dma_start3A_36] : memref<32x288x128xi32, #tpu.memory_space<hbm>> -> memref<1x288x128xi32, #tpu.memory_space<hbm>>
      %dma_start3A_38 = tpu.memref_squeeze %dma_start3A_37 : memref<1x288x128xi32, #tpu.memory_space<hbm>> -> memref<288x128xi32, #tpu.memory_space<hbm>>
      tpu.enqueue_dma source(%dma_start3A_38 : memref<288x128xi32, #tpu.memory_space<hbm>>) target(%arg6 : memref<288x128xi32, #tpu.memory_space<vmem>>) target_semaphore(%run_scoped3A : memref<!tpu.dma_semaphore, #tpu.memory_space<semaphore_mem>>)
      %dma_wait3A = arith.constant 0 : i32
      %dma_wait3A_39 = arith.constant 0 : i32
      %dma_wait3A_40 = tpu.memref_slice %arg2[%add3A, %dma_wait3A, %dma_wait3A_39] : memref<32x288x128xi32, #tpu.memory_space<hbm>> -> memref<1x288x128xi32, #tpu.memory_space<hbm>>
      %dma_wait3A_41 = tpu.memref_squeeze %dma_wait3A_40 : memref<1x288x128xi32, #tpu.memory_space<hbm>> -> memref<288x128xi32, #tpu.memory_space<hbm>>
      %dma_wait3A_42 = arith.constant 0 : i32
      %dma_wait3A_43 = arith.constant 0 : i32
      %dma_wait3A_44 = tpu.memref_slice %arg2[%add3A, %dma_wait3A_42, %dma_wait3A_43] : memref<32x288x128xi32, #tpu.memory_space<hbm>> -> memref<1x288x128xi32, #tpu.memory_space<hbm>>
      %dma_wait3A_45 = tpu.memref_squeeze %dma_wait3A_44 : memref<1x288x128xi32, #tpu.memory_space<hbm>> -> memref<288x128xi32, #tpu.memory_space<hbm>>
      tpu.wait_dma2 semaphore(%run_scoped3A : memref<!tpu.dma_semaphore, #tpu.memory_space<semaphore_mem>>) src(%dma_wait3A_45 : memref<288x128xi32, #tpu.memory_space<hbm>>) dst(%arg6 : memref<288x128xi32, #tpu.memory_space<vmem>>)
      tpu.yield
    }) : () -> ()
    "tpu.region"() ({
      %run_scoped3A = tpu.sem_alloc : memref<!tpu.dma_semaphore, #tpu.memory_space<semaphore_mem>>
      tpu.enqueue_dma source(%arg4 : memref<16xf32, #tpu.memory_space<hbm>>) target(%arg10 : memref<16xf32, #tpu.memory_space<vmem>>) target_semaphore(%run_scoped3A : memref<!tpu.dma_semaphore, #tpu.memory_space<semaphore_mem>>)
      tpu.wait_dma2 semaphore(%run_scoped3A : memref<!tpu.dma_semaphore, #tpu.memory_space<semaphore_mem>>) src(%arg4 : memref<16xf32, #tpu.memory_space<hbm>>) dst(%arg10 : memref<16xf32, #tpu.memory_space<vmem>>)
      tpu.yield
    }) : () -> ()
    %scan3A = arith.constant 0 : i32
    %scan3A_1 = arith.constant 0 : i32
    %scan3A_2 = arith.constant 32 : i32
    %scan3A_3 = arith.addi %scan3A_1, %scan3A_2 : i32
    %scan3A_4 = arith.constant 1 : i32
    scf.for %scan3A_32 = %scan3A_1 to %scan3A_3 step %scan3A_4  : i32 {
      %mul3A_33 = arith.constant 128 : i32
      %mul3A_34 = arith.muli %scan3A_32, %mul3A_33 : i32
      %dma_start3A = tpu.memref_slice %arg7[%mul3A_34] : memref<36864xf32, #tpu.memory_space<vmem>> -> memref<128xf32, #tpu.memory_space<vmem>>
      %dma_start3A_35 = arith.constant 0 : i32
      %dma_start3A_36 = tpu.memref_slice %arg6[%scan3A_32, %dma_start3A_35] : memref<288x128xi32, #tpu.memory_space<vmem>> -> memref<1x128xi32, #tpu.memory_space<vmem>>
      %dma_start3A_37 = tpu.memref_squeeze %dma_start3A_36 : memref<1x128xi32, #tpu.memory_space<vmem>> -> memref<128xi32, #tpu.memory_space<vmem>>
      %dma_start3A_38 = arith.constant 0 : i32
      %dma_start3A_39 = tpu.memref_slice %arg3[%dma_start3A_38] : memref<3309568xf32, #tpu.memory_space<hbm>> -> memref<3309568xf32, #tpu.memory_space<hbm>>
      tpu.enqueue_indirect_dma source(%dma_start3A_39 : memref<3309568xf32, #tpu.memory_space<hbm>>) target(%dma_start3A : memref<128xf32, #tpu.memory_space<vmem>>) offsets(%dma_start3A_37 : memref<128xi32, #tpu.memory_space<vmem>>) semaphore(%arg11 : memref<!tpu.dma_semaphore, #tpu.memory_space<semaphore_mem>>)
    }
    %scan3A_5 = arith.constant 32 : i32
    %scan3A_6 = arith.constant 0 : i32
    %scan3A_7 = arith.constant 32 : i32
    %scan3A_8 = arith.constant 256 : i32
    %scan3A_9 = arith.addi %scan3A_7, %scan3A_8 : i32
    %scan3A_10 = arith.constant 1 : i32
    scf.for %scan3A_32 = %scan3A_7 to %scan3A_9 step %scan3A_10  : i32 {
      %mul3A_33 = arith.constant 128 : i32
      %mul3A_34 = arith.muli %scan3A_32, %mul3A_33 : i32
      %dma_start3A = tpu.memref_slice %arg7[%mul3A_34] : memref<36864xf32, #tpu.memory_space<vmem>> -> memref<128xf32, #tpu.memory_space<vmem>>
      %dma_start3A_35 = arith.constant 0 : i32
      %dma_start3A_36 = tpu.memref_slice %arg6[%scan3A_32, %dma_start3A_35] : memref<288x128xi32, #tpu.memory_space<vmem>> -> memref<1x128xi32, #tpu.memory_space<vmem>>
      %dma_start3A_37 = tpu.memref_squeeze %dma_start3A_36 : memref<1x128xi32, #tpu.memory_space<vmem>> -> memref<128xi32, #tpu.memory_space<vmem>>
      %dma_start3A_38 = arith.constant 0 : i32
      %dma_start3A_39 = tpu.memref_slice %arg3[%dma_start3A_38] : memref<3309568xf32, #tpu.memory_space<hbm>> -> memref<3309568xf32, #tpu.memory_space<hbm>>
      tpu.enqueue_indirect_dma source(%dma_start3A_39 : memref<3309568xf32, #tpu.memory_space<hbm>>) target(%dma_start3A : memref<128xf32, #tpu.memory_space<vmem>>) offsets(%dma_start3A_37 : memref<128xi32, #tpu.memory_space<vmem>>) semaphore(%arg11 : memref<!tpu.dma_semaphore, #tpu.memory_space<semaphore_mem>>)
      %sub3A = arith.constant 32 : i32
      %sub3A_40 = arith.subi %scan3A_32, %sub3A : i32
      %mul3A_41 = arith.constant 128 : i32
      %mul3A_42 = arith.muli %sub3A_40, %mul3A_41 : i32
      %dma_wait3A = tpu.memref_slice %arg7[%mul3A_42] : memref<36864xf32, #tpu.memory_space<vmem>> -> memref<128xf32, #tpu.memory_space<vmem>>
      %dma_wait3A_43 = arith.constant 0 : i32
      %dma_wait3A_44 = tpu.memref_slice %arg6[%sub3A_40, %dma_wait3A_43] : memref<288x128xi32, #tpu.memory_space<vmem>> -> memref<1x128xi32, #tpu.memory_space<vmem>>
      %dma_wait3A_45 = tpu.memref_squeeze %dma_wait3A_44 : memref<1x128xi32, #tpu.memory_space<vmem>> -> memref<128xi32, #tpu.memory_space<vmem>>
      %dma_wait3A_46 = arith.constant 0 : i32
      %dma_wait3A_47 = tpu.memref_slice %arg3[%dma_wait3A_46] : memref<3309568xf32, #tpu.memory_space<hbm>> -> memref<3309568xf32, #tpu.memory_space<hbm>>
      tpu.wait_indirect_dma semaphore(%arg11 : memref<!tpu.dma_semaphore, #tpu.memory_space<semaphore_mem>>) src(%dma_wait3A_47 : memref<3309568xf32, #tpu.memory_space<hbm>>) dst(%dma_wait3A : memref<128xf32, #tpu.memory_space<vmem>>)
    }
    %scan3A_11 = arith.constant 256 : i32
    %scan3A_12 = arith.constant 0 : i32
    %scan3A_13 = arith.constant 256 : i32
    %scan3A_14 = arith.constant 32 : i32
    %scan3A_15 = arith.addi %scan3A_13, %scan3A_14 : i32
    %scan3A_16 = arith.constant 1 : i32
    scf.for %scan3A_32 = %scan3A_13 to %scan3A_15 step %scan3A_16  : i32 {
      %mul3A_33 = arith.constant 128 : i32
      %mul3A_34 = arith.muli %scan3A_32, %mul3A_33 : i32
      %dma_wait3A = tpu.memref_slice %arg7[%mul3A_34] : memref<36864xf32, #tpu.memory_space<vmem>> -> memref<128xf32, #tpu.memory_space<vmem>>
      %dma_wait3A_35 = arith.constant 0 : i32
      %dma_wait3A_36 = tpu.memref_slice %arg6[%scan3A_32, %dma_wait3A_35] : memref<288x128xi32, #tpu.memory_space<vmem>> -> memref<1x128xi32, #tpu.memory_space<vmem>>
      %dma_wait3A_37 = tpu.memref_squeeze %dma_wait3A_36 : memref<1x128xi32, #tpu.memory_space<vmem>> -> memref<128xi32, #tpu.memory_space<vmem>>
      %dma_wait3A_38 = arith.constant 0 : i32
      %dma_wait3A_39 = tpu.memref_slice %arg3[%dma_wait3A_38] : memref<3309568xf32, #tpu.memory_space<hbm>> -> memref<3309568xf32, #tpu.memory_space<hbm>>
      tpu.wait_indirect_dma semaphore(%arg11 : memref<!tpu.dma_semaphore, #tpu.memory_space<semaphore_mem>>) src(%dma_wait3A_39 : memref<3309568xf32, #tpu.memory_space<hbm>>) dst(%dma_wait3A : memref<128xf32, #tpu.memory_space<vmem>>)
    }
    %scan3A_17 = arith.constant 32 : i32
    %iota3A = tpu.iota {dimensions = array<i32: 0>} : vector<16xi32>
    %scan3A_18 = arith.constant 0 : i32
    %scan3A_19 = arith.constant 0 : i32
    %scan3A_20 = arith.constant 256 : i32
    %scan3A_21 = arith.addi %scan3A_19, %scan3A_20 : i32
    %scan3A_22 = arith.constant 1 : i32
    scf.for %scan3A_32 = %scan3A_19 to %scan3A_21 step %scan3A_22  : i32 {
      %mul3A_33 = arith.constant 16 : i32
      %mul3A_34 = arith.muli %scan3A_32, %mul3A_33 : i32
      %add3A_35 = vector.broadcast %mul3A_34 : i32 to vector<16xi32>
      %add3A_36 = arith.addi %add3A_35, %iota3A : vector<16xi32>
      %mul3A_37 = arith.constant 9 : i32
      %mul3A_38 = vector.broadcast %mul3A_37 : i32 to vector<16xi32>
      %mul3A_39 = arith.muli %add3A_36, %mul3A_38 : vector<16xi32>
      %gather3A = tpu.vector_load_idx %arg7[%mul3A_39] : memref<36864xf32, #tpu.memory_space<vmem>>[vector<16xi32>], vector<16xf32>,
      %add3A_40 = arith.constant 1 : i32
      %add3A_41 = vector.broadcast %add3A_40 : i32 to vector<16xi32>
      %add3A_42 = arith.addi %mul3A_39, %add3A_41 : vector<16xi32>
      %gather3A_43 = tpu.vector_load_idx %arg7[%add3A_42] : memref<36864xf32, #tpu.memory_space<vmem>>[vector<16xi32>], vector<16xf32>,
      %add3A_44 = arith.addf %gather3A, %gather3A_43 : vector<16xf32>
      %add3A_45 = arith.constant 2 : i32
      %add3A_46 = vector.broadcast %add3A_45 : i32 to vector<16xi32>
      %add3A_47 = arith.addi %mul3A_39, %add3A_46 : vector<16xi32>
      %gather3A_48 = tpu.vector_load_idx %arg7[%add3A_47] : memref<36864xf32, #tpu.memory_space<vmem>>[vector<16xi32>], vector<16xf32>,
      %add3A_49 = arith.addf %add3A_44, %gather3A_48 : vector<16xf32>
      %add3A_50 = arith.constant 3 : i32
      %add3A_51 = vector.broadcast %add3A_50 : i32 to vector<16xi32>
      %add3A_52 = arith.addi %mul3A_39, %add3A_51 : vector<16xi32>
      %gather3A_53 = tpu.vector_load_idx %arg7[%add3A_52] : memref<36864xf32, #tpu.memory_space<vmem>>[vector<16xi32>], vector<16xf32>,
      %add3A_54 = arith.addf %add3A_49, %gather3A_53 : vector<16xf32>
      %add3A_55 = arith.constant 4 : i32
      %add3A_56 = vector.broadcast %add3A_55 : i32 to vector<16xi32>
      %add3A_57 = arith.addi %mul3A_39, %add3A_56 : vector<16xi32>
      %gather3A_58 = tpu.vector_load_idx %arg7[%add3A_57] : memref<36864xf32, #tpu.memory_space<vmem>>[vector<16xi32>], vector<16xf32>,
      %add3A_59 = arith.addf %add3A_54, %gather3A_58 : vector<16xf32>
      %add3A_60 = arith.constant 5 : i32
      %add3A_61 = vector.broadcast %add3A_60 : i32 to vector<16xi32>
      %add3A_62 = arith.addi %mul3A_39, %add3A_61 : vector<16xi32>
      %gather3A_63 = tpu.vector_load_idx %arg7[%add3A_62] : memref<36864xf32, #tpu.memory_space<vmem>>[vector<16xi32>], vector<16xf32>,
      %add3A_64 = arith.addf %add3A_59, %gather3A_63 : vector<16xf32>
      %add3A_65 = arith.constant 6 : i32
      %add3A_66 = vector.broadcast %add3A_65 : i32 to vector<16xi32>
      %add3A_67 = arith.addi %mul3A_39, %add3A_66 : vector<16xi32>
      %gather3A_68 = tpu.vector_load_idx %arg7[%add3A_67] : memref<36864xf32, #tpu.memory_space<vmem>>[vector<16xi32>], vector<16xf32>,
      %add3A_69 = arith.addf %add3A_64, %gather3A_68 : vector<16xf32>
      %add3A_70 = arith.constant 7 : i32
      %add3A_71 = vector.broadcast %add3A_70 : i32 to vector<16xi32>
      %add3A_72 = arith.addi %mul3A_39, %add3A_71 : vector<16xi32>
      %gather3A_73 = tpu.vector_load_idx %arg7[%add3A_72] : memref<36864xf32, #tpu.memory_space<vmem>>[vector<16xi32>], vector<16xf32>,
      %add3A_74 = arith.addf %add3A_69, %gather3A_73 : vector<16xf32>
      %add3A_75 = arith.constant 8 : i32
      %add3A_76 = vector.broadcast %add3A_75 : i32 to vector<16xi32>
      %add3A_77 = arith.addi %mul3A_39, %add3A_76 : vector<16xi32>
      %gather3A_78 = tpu.vector_load_idx %arg7[%add3A_77] : memref<36864xf32, #tpu.memory_space<vmem>>[vector<16xi32>], vector<16xf32>,
      %add3A_79 = arith.addf %add3A_74, %gather3A_78 : vector<16xf32>
      %swap3A = arith.index_cast %mul3A_34 : i32 to index
      %swap3A_80 = tpu.vector_load %arg8[%swap3A] {strides = array<i32>} : memref<4096xf32, #tpu.memory_space<vmem>>, vector<16xf32>,
      tpu.vector_store %arg8[%swap3A], %add3A_79 {strides = array<i32>} : memref<4096xf32, #tpu.memory_space<vmem>>, vector<16xf32>,
    }
    %scan3A_23 = arith.constant 256 : i32
    %scan3A_24 = arith.constant 0 : i32
    %scan3A_25 = arith.constant 0 : i32
    %scan3A_26 = arith.constant 16 : i32
    %scan3A_27 = arith.addi %scan3A_25, %scan3A_26 : i32
    %scan3A_28 = arith.constant 1 : i32
    scf.for %scan3A_32 = %scan3A_25 to %scan3A_27 step %scan3A_28  : i32 {
      %mul3A_33 = arith.constant 256 : i32
      %mul3A_34 = arith.muli %scan3A_32, %mul3A_33 : i32
      %mul3A_35 = arith.constant 16 : i32
      %mul3A_36 = vector.broadcast %mul3A_35 : i32 to vector<16xi32>
      %mul3A_37 = arith.muli %iota3A, %mul3A_36 : vector<16xi32>
      %add3A_38 = vector.broadcast %mul3A_34 : i32 to vector<16xi32>
      %add3A_39 = arith.addi %add3A_38, %mul3A_37 : vector<16xi32>
      %gather3A = tpu.vector_load_idx %arg8[%add3A_39] : memref<4096xf32, #tpu.memory_space<vmem>>[vector<16xi32>], vector<16xf32>,
      %mul3A_40 = arith.constant 16 : i32
      %mul3A_41 = vector.broadcast %mul3A_40 : i32 to vector<16xi32>
      %mul3A_42 = arith.muli %iota3A, %mul3A_41 : vector<16xi32>
      %add3A_43 = vector.broadcast %mul3A_34 : i32 to vector<16xi32>
      %add3A_44 = arith.addi %add3A_43, %mul3A_42 : vector<16xi32>
      %add3A_45 = arith.constant 1 : i32
      %add3A_46 = vector.broadcast %add3A_45 : i32 to vector<16xi32>
      %add3A_47 = arith.addi %add3A_44, %add3A_46 : vector<16xi32>
      %gather3A_48 = tpu.vector_load_idx %arg8[%add3A_47] : memref<4096xf32, #tpu.memory_space<vmem>>[vector<16xi32>], vector<16xf32>,
      %max3A = arith.maximumf %gather3A, %gather3A_48 : vector<16xf32>
      %mul3A_49 = arith.constant 16 : i32
      %mul3A_50 = vector.broadcast %mul3A_49 : i32 to vector<16xi32>
      %mul3A_51 = arith.muli %iota3A, %mul3A_50 : vector<16xi32>
      %add3A_52 = vector.broadcast %mul3A_34 : i32 to vector<16xi32>
      %add3A_53 = arith.addi %add3A_52, %mul3A_51 : vector<16xi32>
      %add3A_54 = arith.constant 2 : i32
      %add3A_55 = vector.broadcast %add3A_54 : i32 to vector<16xi32>
      %add3A_56 = arith.addi %add3A_53, %add3A_55 : vector<16xi32>
      %gather3A_57 = tpu.vector_load_idx %arg8[%add3A_56] : memref<4096xf32, #tpu.memory_space<vmem>>[vector<16xi32>], vector<16xf32>,
      %max3A_58 = arith.maximumf %max3A, %gather3A_57 : vector<16xf32>
      %mul3A_59 = arith.constant 16 : i32
      %mul3A_60 = vector.broadcast %mul3A_59 : i32 to vector<16xi32>
      %mul3A_61 = arith.muli %iota3A, %mul3A_60 : vector<16xi32>
      %add3A_62 = vector.broadcast %mul3A_34 : i32 to vector<16xi32>
      %add3A_63 = arith.addi %add3A_62, %mul3A_61 : vector<16xi32>
      %add3A_64 = arith.constant 3 : i32
      %add3A_65 = vector.broadcast %add3A_64 : i32 to vector<16xi32>
      %add3A_66 = arith.addi %add3A_63, %add3A_65 : vector<16xi32>
      %gather3A_67 = tpu.vector_load_idx %arg8[%add3A_66] : memref<4096xf32, #tpu.memory_space<vmem>>[vector<16xi32>], vector<16xf32>,
      %max3A_68 = arith.maximumf %max3A_58, %gather3A_67 : vector<16xf32>
      %mul3A_69 = arith.constant 16 : i32
      %mul3A_70 = vector.broadcast %mul3A_69 : i32 to vector<16xi32>
      %mul3A_71 = arith.muli %iota3A, %mul3A_70 : vector<16xi32>
      %add3A_72 = vector.broadcast %mul3A_34 : i32 to vector<16xi32>
      %add3A_73 = arith.addi %add3A_72, %mul3A_71 : vector<16xi32>
      %add3A_74 = arith.constant 4 : i32
      %add3A_75 = vector.broadcast %add3A_74 : i32 to vector<16xi32>
      %add3A_76 = arith.addi %add3A_73, %add3A_75 : vector<16xi32>
      %gather3A_77 = tpu.vector_load_idx %arg8[%add3A_76] : memref<4096xf32, #tpu.memory_space<vmem>>[vector<16xi32>], vector<16xf32>,
      %max3A_78 = arith.maximumf %max3A_68, %gather3A_77 : vector<16xf32>
      %mul3A_79 = arith.constant 16 : i32
      %mul3A_80 = vector.broadcast %mul3A_79 : i32 to vector<16xi32>
      %mul3A_81 = arith.muli %iota3A, %mul3A_80 : vector<16xi32>
      %add3A_82 = vector.broadcast %mul3A_34 : i32 to vector<16xi32>
      %add3A_83 = arith.addi %add3A_82, %mul3A_81 : vector<16xi32>
      %add3A_84 = arith.constant 5 : i32
      %add3A_85 = vector.broadcast %add3A_84 : i32 to vector<16xi32>
      %add3A_86 = arith.addi %add3A_83, %add3A_85 : vector<16xi32>
      %gather3A_87 = tpu.vector_load_idx %arg8[%add3A_86] : memref<4096xf32, #tpu.memory_space<vmem>>[vector<16xi32>], vector<16xf32>,
      %max3A_88 = arith.maximumf %max3A_78, %gather3A_87 : vector<16xf32>
      %mul3A_89 = arith.constant 16 : i32
      %mul3A_90 = vector.broadcast %mul3A_89 : i32 to vector<16xi32>
      %mul3A_91 = arith.muli %iota3A, %mul3A_90 : vector<16xi32>
      %add3A_92 = vector.broadcast %mul3A_34 : i32 to vector<16xi32>
      %add3A_93 = arith.addi %add3A_92, %mul3A_91 : vector<16xi32>
      %add3A_94 = arith.constant 6 : i32
      %add3A_95 = vector.broadcast %add3A_94 : i32 to vector<16xi32>
      %add3A_96 = arith.addi %add3A_93, %add3A_95 : vector<16xi32>
      %gather3A_97 = tpu.vector_load_idx %arg8[%add3A_96] : memref<4096xf32, #tpu.memory_space<vmem>>[vector<16xi32>], vector<16xf32>,
      %max3A_98 = arith.maximumf %max3A_88, %gather3A_97 : vector<16xf32>
      %mul3A_99 = arith.constant 16 : i32
      %mul3A_100 = vector.broadcast %mul3A_99 : i32 to vector<16xi32>
      %mul3A_101 = arith.muli %iota3A, %mul3A_100 : vector<16xi32>
      %add3A_102 = vector.broadcast %mul3A_34 : i32 to vector<16xi32>
      %add3A_103 = arith.addi %add3A_102, %mul3A_101 : vector<16xi32>
      %add3A_104 = arith.constant 7 : i32
      %add3A_105 = vector.broadcast %add3A_104 : i32 to vector<16xi32>
      %add3A_106 = arith.addi %add3A_103, %add3A_105 : vector<16xi32>
      %gather3A_107 = tpu.vector_load_idx %arg8[%add3A_106] : memref<4096xf32, #tpu.memory_space<vmem>>[vector<16xi32>], vector<16xf32>,
      %max3A_108 = arith.maximumf %max3A_98, %gather3A_107 : vector<16xf32>
      %mul3A_109 = arith.constant 16 : i32
      %mul3A_110 = vector.broadcast %mul3A_109 : i32 to vector<16xi32>
      %mul3A_111 = arith.muli %iota3A, %mul3A_110 : vector<16xi32>
      %add3A_112 = vector.broadcast %mul3A_34 : i32 to vector<16xi32>
      %add3A_113 = arith.addi %add3A_112, %mul3A_111 : vector<16xi32>
      %add3A_114 = arith.constant 8 : i32
      %add3A_115 = vector.broadcast %add3A_114 : i32 to vector<16xi32>
      %add3A_116 = arith.addi %add3A_113, %add3A_115 : vector<16xi32>
      %gather3A_117 = tpu.vector_load_idx %arg8[%add3A_116] : memref<4096xf32, #tpu.memory_space<vmem>>[vector<16xi32>], vector<16xf32>,
      %max3A_118 = arith.maximumf %max3A_108, %gather3A_117 : vector<16xf32>
      %mul3A_119 = arith.constant 16 : i32
      %mul3A_120 = vector.broadcast %mul3A_119 : i32 to vector<16xi32>
      %mul3A_121 = arith.muli %iota3A, %mul3A_120 : vector<16xi32>
      %add3A_122 = vector.broadcast %mul3A_34 : i32 to vector<16xi32>
      %add3A_123 = arith.addi %add3A_122, %mul3A_121 : vector<16xi32>
      %add3A_124 = arith.constant 9 : i32
      %add3A_125 = vector.broadcast %add3A_124 : i32 to vector<16xi32>
      %add3A_126 = arith.addi %add3A_123, %add3A_125 : vector<16xi32>
      %gather3A_127 = tpu.vector_load_idx %arg8[%add3A_126] : memref<4096xf32, #tpu.memory_space<vmem>>[vector<16xi32>], vector<16xf32>,
      %max3A_128 = arith.maximumf %max3A_118, %gather3A_127 : vector<16xf32>
      %mul3A_129 = arith.constant 16 : i32
      %mul3A_130 = vector.broadcast %mul3A_129 : i32 to vector<16xi32>
      %mul3A_131 = arith.muli %iota3A, %mul3A_130 : vector<16xi32>
      %add3A_132 = vector.broadcast %mul3A_34 : i32 to vector<16xi32>
      %add3A_133 = arith.addi %add3A_132, %mul3A_131 : vector<16xi32>
      %add3A_134 = arith.constant 10 : i32
      %add3A_135 = vector.broadcast %add3A_134 : i32 to vector<16xi32>
      %add3A_136 = arith.addi %add3A_133, %add3A_135 : vector<16xi32>
      %gather3A_137 = tpu.vector_load_idx %arg8[%add3A_136] : memref<4096xf32, #tpu.memory_space<vmem>>[vector<16xi32>], vector<16xf32>,
      %max3A_138 = arith.maximumf %max3A_128, %gather3A_137 : vector<16xf32>
      %mul3A_139 = arith.constant 16 : i32
      %mul3A_140 = vector.broadcast %mul3A_139 : i32 to vector<16xi32>
      %mul3A_141 = arith.muli %iota3A, %mul3A_140 : vector<16xi32>
      %add3A_142 = vector.broadcast %mul3A_34 : i32 to vector<16xi32>
      %add3A_143 = arith.addi %add3A_142, %mul3A_141 : vector<16xi32>
      %add3A_144 = arith.constant 11 : i32
      %add3A_145 = vector.broadcast %add3A_144 : i32 to vector<16xi32>
      %add3A_146 = arith.addi %add3A_143, %add3A_145 : vector<16xi32>
      %gather3A_147 = tpu.vector_load_idx %arg8[%add3A_146] : memref<4096xf32, #tpu.memory_space<vmem>>[vector<16xi32>], vector<16xf32>,
      %max3A_148 = arith.maximumf %max3A_138, %gather3A_147 : vector<16xf32>
      %mul3A_149 = arith.constant 16 : i32
      %mul3A_150 = vector.broadcast %mul3A_149 : i32 to vector<16xi32>
      %mul3A_151 = arith.muli %iota3A, %mul3A_150 : vector<16xi32>
      %add3A_152 = vector.broadcast %mul3A_34 : i32 to vector<16xi32>
      %add3A_153 = arith.addi %add3A_152, %mul3A_151 : vector<16xi32>
      %add3A_154 = arith.constant 12 : i32
      %add3A_155 = vector.broadcast %add3A_154 : i32 to vector<16xi32>
      %add3A_156 = arith.addi %add3A_153, %add3A_155 : vector<16xi32>
      %gather3A_157 = tpu.vector_load_idx %arg8[%add3A_156] : memref<4096xf32, #tpu.memory_space<vmem>>[vector<16xi32>], vector<16xf32>,
      %max3A_158 = arith.maximumf %max3A_148, %gather3A_157 : vector<16xf32>
      %mul3A_159 = arith.constant 16 : i32
      %mul3A_160 = vector.broadcast %mul3A_159 : i32 to vector<16xi32>
      %mul3A_161 = arith.muli %iota3A, %mul3A_160 : vector<16xi32>
      %add3A_162 = vector.broadcast %mul3A_34 : i32 to vector<16xi32>
      %add3A_163 = arith.addi %add3A_162, %mul3A_161 : vector<16xi32>
      %add3A_164 = arith.constant 13 : i32
      %add3A_165 = vector.broadcast %add3A_164 : i32 to vector<16xi32>
      %add3A_166 = arith.addi %add3A_163, %add3A_165 : vector<16xi32>
      %gather3A_167 = tpu.vector_load_idx %arg8[%add3A_166] : memref<4096xf32, #tpu.memory_space<vmem>>[vector<16xi32>], vector<16xf32>,
      %max3A_168 = arith.maximumf %max3A_158, %gather3A_167 : vector<16xf32>
      %mul3A_169 = arith.constant 16 : i32
      %mul3A_170 = vector.broadcast %mul3A_169 : i32 to vector<16xi32>
      %mul3A_171 = arith.muli %iota3A, %mul3A_170 : vector<16xi32>
      %add3A_172 = vector.broadcast %mul3A_34 : i32 to vector<16xi32>
      %add3A_173 = arith.addi %add3A_172, %mul3A_171 : vector<16xi32>
      %add3A_174 = arith.constant 14 : i32
      %add3A_175 = vector.broadcast %add3A_174 : i32 to vector<16xi32>
      %add3A_176 = arith.addi %add3A_173, %add3A_175 : vector<16xi32>
      %gather3A_177 = tpu.vector_load_idx %arg8[%add3A_176] : memref<4096xf32, #tpu.memory_space<vmem>>[vector<16xi32>], vector<16xf32>,
      %max3A_178 = arith.maximumf %max3A_168, %gather3A_177 : vector<16xf32>
      %mul3A_179 = arith.constant 16 : i32
      %mul3A_180 = vector.broadcast %mul3A_179 : i32 to vector<16xi32>
      %mul3A_181 = arith.muli %iota3A, %mul3A_180 : vector<16xi32>
      %add3A_182 = vector.broadcast %mul3A_34 : i32 to vector<16xi32>
      %add3A_183 = arith.addi %add3A_182, %mul3A_181 : vector<16xi32>
      %add3A_184 = arith.constant 15 : i32
      %add3A_185 = vector.broadcast %add3A_184 : i32 to vector<16xi32>
      %add3A_186 = arith.addi %add3A_183, %add3A_185 : vector<16xi32>
      %gather3A_187 = tpu.vector_load_idx %arg8[%add3A_186] : memref<4096xf32, #tpu.memory_space<vmem>>[vector<16xi32>], vector<16xf32>,
      %max3A_188 = arith.maximumf %max3A_178, %gather3A_187 : vector<16xf32>
      %get3A = arith.constant 0 : index
      %get3A_189 = tpu.vector_load %arg10[%get3A] {strides = array<i32>} : memref<16xf32, #tpu.memory_space<vmem>>, vector<16xf32>,
      %add3A_190 = arith.addf %max3A_188, %get3A_189 : vector<16xf32>
      %neg3A = arith.constant 0.000000e+00 : f32
      %neg3A_191 = vector.broadcast %neg3A : f32 to vector<16xf32>
      %neg3A_192 = arith.subf %neg3A_191, %add3A_190 : vector<16xf32>
      %exp3A = math.exp %neg3A_192 : vector<16xf32>
      %add3A_193 = arith.constant 1.000000e+00 : f32
      %add3A_194 = vector.broadcast %add3A_193 : f32 to vector<16xf32>
      %add3A_195 = arith.addf %add3A_194, %exp3A : vector<16xf32>
      %div3A = arith.constant 1.000000e+00 : f32
      %div3A_196 = vector.broadcast %div3A : f32 to vector<16xf32>
      %div3A_197 = arith.divf %div3A_196, %add3A_195 : vector<16xf32>
      %mul3A_198 = arith.constant 16 : i32
      %mul3A_199 = arith.muli %scan3A_32, %mul3A_198 : i32
      %swap3A = arith.index_cast %mul3A_199 : i32 to index
      %swap3A_200 = tpu.vector_load %arg9[%swap3A] {strides = array<i32>} : memref<256xf32, #tpu.memory_space<vmem>>, vector<16xf32>,
      tpu.vector_store %arg9[%swap3A], %div3A_197 {strides = array<i32>} : memref<256xf32, #tpu.memory_space<vmem>>, vector<16xf32>,
    }
    %scan3A_29 = arith.constant 16 : i32
    %mul3A_30 = arith.constant 256 : i32
    %mul3A_31 = arith.muli %add3A, %mul3A_30 : i32
    "tpu.region"() ({
      %run_scoped3A = tpu.sem_alloc : memref<!tpu.dma_semaphore, #tpu.memory_space<semaphore_mem>>
      %dma_start3A = tpu.memref_slice %arg5[%mul3A_31] : memref<8192xf32, #tpu.memory_space<hbm>> -> memref<256xf32, #tpu.memory_space<hbm>>
      %dma_start3A_32 = tpu.memref_slice %arg5[%mul3A_31] : memref<8192xf32, #tpu.memory_space<hbm>> -> memref<256xf32, #tpu.memory_space<hbm>>
      tpu.enqueue_dma source(%arg9 : memref<256xf32, #tpu.memory_space<vmem>>) target(%dma_start3A_32 : memref<256xf32, #tpu.memory_space<hbm>>) target_semaphore(%run_scoped3A : memref<!tpu.dma_semaphore, #tpu.memory_space<semaphore_mem>>)
      %dma_wait3A = tpu.memref_slice %arg5[%mul3A_31] : memref<8192xf32, #tpu.memory_space<hbm>> -> memref<256xf32, #tpu.memory_space<hbm>>
      %dma_wait3A_33 = tpu.memref_slice %arg5[%mul3A_31] : memref<8192xf32, #tpu.memory_space<hbm>> -> memref<256xf32, #tpu.memory_space<hbm>>
      tpu.wait_dma2 semaphore(%run_scoped3A : memref<!tpu.dma_semaphore, #tpu.memory_space<semaphore_mem>>) src(%arg9 : memref<256xf32, #tpu.memory_space<vmem>>) dst(%dma_wait3A_33 : memref<256xf32, #tpu.memory_space<hbm>>)
      tpu.yield
    }) : () -> ()
    return
  }
}

module attributes {stable_mosaic.version = 14 : i64} {
  func.func @_row_scores_body(%arg0: i32, %arg1: memref<16x32768xf32, #tpu.memory_space<vmem>>, %arg2: memref<1x1x32768xi32, #tpu.memory_space<vmem>>, %arg3: memref<16x16xf32, #tpu.memory_space<vmem>>, %arg4: memref<16x128xf32, #tpu.memory_space<vmem>>, %arg5: memref<1x1x32768xf32, #tpu.memory_space<vmem>>) attributes {dimension_semantics = [#tpu.dimension_semantics<arbitrary>], iteration_bounds = array<i64: 101>, scalar_prefetch = 0 : i64, scratch_operands = 0 : i64, tpu.core_type = #tpu.core_type<tc>, window_params = [{transform_indices = @transform_0, window_bounds = array<i64: 16, 32768>}, {transform_indices = @transform_1, window_bounds = array<i64: 1, 1, 32768>}, {pipeline_mode = #tpu.pipeline_mode<synchronous>, transform_indices = @transform_2, window_bounds = array<i64: 16, 16>}, {pipeline_mode = #tpu.pipeline_mode<synchronous>, transform_indices = @transform_3, window_bounds = array<i64: 16, 128>}, {transform_indices = @transform_4, window_bounds = array<i64: 1, 1, 32768>}]} {
    %get3A = arith.constant 0 : index
    %get3A_0 = arith.constant 0 : index
    %get3A_1 = vector.load %arg3[%get3A, %get3A_0] : memref<16x16xf32, #tpu.memory_space<vmem>>, vector<16x16xf32>
    %get3A_2 = arith.constant 0 : index
    %get3A_3 = arith.constant 0 : index
    %get3A_4 = vector.load %arg1[%get3A_2, %get3A_3] : memref<16x32768xf32, #tpu.memory_space<vmem>>, vector<16x32768xf32>
    %dot_general3A = arith.constant dense<0.000000e+00> : vector<16x32768xf32>
    %dot_general3A_5 = tpu.matmul %get3A_1, %get3A_4, %dot_general3A {dimension_numbers = #tpu.dot_dimension_numbers<[1], [0], [0], [1], [0, 0, 1, 1], [], []>, transpose_lhs_hint = false} : vector<16x16xf32>, vector<16x32768xf32>, vector<16x32768xf32> -> vector<16x32768xf32>
    %get3A_6 = arith.constant 0 : index
    %get3A_7 = arith.constant 0 : index
    %get3A_8 = vector.load %arg4[%get3A_6, %get3A_7] : memref<16x128xf32, #tpu.memory_space<vmem>>, vector<16x1xf32>
    %add3A = vector.broadcast %get3A_8 : vector<16x1xf32> to vector<16x32768xf32>
    %add3A_9 = arith.addf %dot_general3A_5, %add3A : vector<16x32768xf32>
    %get3A_10 = arith.constant 0 : index
    %get3A_11 = arith.constant 0 : index
    %get3A_12 = arith.constant 0 : index
    %get3A_13 = vector.load %arg2[%get3A_10, %get3A_11, %get3A_12] : memref<1x1x32768xi32, #tpu.memory_space<vmem>>, vector<1x1x32768xi32>
    %get3A_14 = vector.shape_cast %get3A_13 : vector<1x1x32768xi32> to vector<1x32768xi32>
    %iota3A = tpu.iota {dimensions = array<i32: 0>} : vector<16x32768xi32>
    %eq3A = vector.broadcast %get3A_14 : vector<1x32768xi32> to vector<16x32768xi32>
    %eq3A_15 = arith.cmpi eq, %iota3A, %eq3A : vector<16x32768xi32>
    %jit3A = arith.constant 0.000000e+00 : f32
    %broadcast_in_dim3A = vector.broadcast %jit3A : f32 to vector<16x32768xf32>
    %select_n3A = arith.select %eq3A_15, %add3A_9, %broadcast_in_dim3A : vector<16x32768xi1>, vector<16x32768xf32>
    %reduce_sum3A = arith.constant dense<0.000000e+00> : vector<32768xf32>
    %reduce_sum3A_16 = vector.multi_reduction <add>, %select_n3A, %reduce_sum3A [0] : vector<16x32768xf32> to vector<32768xf32>
    %broadcast_in_dim3A_17 = vector.shape_cast %reduce_sum3A_16 : vector<32768xf32> to vector<1x32768xf32>
    %swap3A = arith.constant 0 : index
    %swap3A_18 = arith.constant 0 : index
    %swap3A_19 = arith.constant 0 : index
    %swap3A_20 = vector.load %arg5[%swap3A, %swap3A_18, %swap3A_19] : memref<1x1x32768xf32, #tpu.memory_space<vmem>>, vector<1x1x32768xf32>
    %swap3A_21 = vector.shape_cast %swap3A_20 : vector<1x1x32768xf32> to vector<1x32768xf32>
    %swap3A_22 = vector.shape_cast %broadcast_in_dim3A_17 : vector<1x32768xf32> to vector<1x1x32768xf32>
    tpu.vector_store %arg5[%swap3A, %swap3A_18, %swap3A_19], %swap3A_22 {strides = array<i32>} : memref<1x1x32768xf32, #tpu.memory_space<vmem>>, vector<1x1x32768xf32>,
    return
  }
  func.func @transform_0(%arg0: i32) -> (i32, i32) {
    %c0_i32 = arith.constant 0 : i32
    %c0_i32_0 = arith.constant 0 : i32
    return %c0_i32, %arg0 : i32, i32
  }
  func.func @transform_1(%arg0: i32) -> (i32, i32, i32) {
    %c0_i32 = arith.constant 0 : i32
    %c0_i32_0 = arith.constant 0 : i32
    %c0_i32_1 = arith.constant 0 : i32
    return %arg0, %c0_i32, %c0_i32_0 : i32, i32, i32
  }
  func.func @transform_2(%arg0: i32) -> (i32, i32) {
    %c0_i32 = arith.constant 0 : i32
    %c0_i32_0 = arith.constant 0 : i32
    %c0_i32_1 = arith.constant 0 : i32
    return %c0_i32, %c0_i32_0 : i32, i32
  }
  func.func @transform_3(%arg0: i32) -> (i32, i32) {
    %c0_i32 = arith.constant 0 : i32
    %c0_i32_0 = arith.constant 0 : i32
    %c0_i32_1 = arith.constant 0 : i32
    return %c0_i32, %c0_i32_0 : i32, i32
  }
  func.func @transform_4(%arg0: i32) -> (i32, i32, i32) {
    %c0_i32 = arith.constant 0 : i32
    %c0_i32_0 = arith.constant 0 : i32
    %c0_i32_1 = arith.constant 0 : i32
    return %arg0, %c0_i32, %c0_i32_0 : i32, i32, i32
  }
}

</mosaic_0001>

<sc_bundles>
// kernel: kernel.4.cloned.1.call-start
scs
__scs_entry_jumppad:
0x0: {  	(pc) =	sbr.rel $0x88, $3  }
0x1: {  	(tag) =	ssettag $0x0;
	lr =	simm.s32 $0x1  }
0x2: {  	[smem:$0x3F9B] =	sst lr;
	_ =	strace $0xD0000000  }
0x3: {  	_ = 	snop  }
0x4: {  	_ = 	snop  }
0x5: {  	_ = 	snop  }
0x6: {  	_ = 	snop  }
0x7: {  	_ = 	snop  }
__scs_overlays_trampoline_lowered:
0x8: {  	[smem:$0x3FAA] =	sst s0  }
0x9: {  	[smem:$0x3FAB] =	sst s1  }
0xa: {  	[smem:$0x3FAC] =	sst s2  }
0xb: {  	[smem:$0x3FAD] =	sst s3  }
0xc: {  	[smem:$0x3FAE] =	sst s4  }
0xd: {  	[smem:$0x3FAF] =	sst s5  }
0xe: {  	[smem:$0x3FB0] =	sst s6  }
0xf: {  	[smem:$0x3FB1] =	sst s7  }
0x10: {  	[smem:$0x3FB2] =	sst s8  }
0x11: {  	[smem:$0x3FB3] =	sst s9;
	s0 =	simm.s32 @!p0 $0x0  }
0x12: {  	s1 =	sld [smem:$0x3F99];
	s0 =	simm.s32 @p0 $0x1  }
0x13: {  	[smem:$0x3FB4] =	sst s0;
	s0 =	simm.s32 @!p1 $0x0  }
0x14: {  	s2 =	sld [smem:$0x3F98];
	s0 =	simm.s32 @p1 $0x1  }
0x15: {  	[smem:$0x3FB5] =	sst s0;
	s0 =	simm.s32 @!p2 $0x0  }
0x16: {  	s3 =	sld [smem:$0x3FDB];
	s0 =	simm.s32 @p2 $0x1  }
0x17: {  	s4 =	simm.s32 $0x1BF5;
	[smem:$0x3FB7] =	sst s0  }
0x18: {  	s0 =	sld [smem:$0x3F9A];
	_ =	swait.ge [sflag:s4], $0x0  }
0x19: {  	s7 =	sld [smem:$0x3F9B]  }
0x1a: {  	s8 =	sadd.s32 $0xFFFFE003, lr  }
0x1b: {  	s9 =	sadd.s32 $0xFFFFFEF7, lr;
	s5 =	simm.s32 $0xFFFFFFFF;
	p2 =	slt.u32 s8, $0xFFFFF086  }
0x1c: {  	p1 =	slt.u32 s9, $0xF7A;
	s5 =	simm.s32 @!p2 $0x0  }
0x1d: {  	s5 =	simm.s32 @p1 $0x1;
	p0 =	seq.s32 s7, s2  }
0x1e: {  	s7 =	smul.u32 @!p0 $0xF7A, s2;
	p2 =	seq.s32 @!p0 s5, $0x0  }
0x1f: {  	s9 =	smul.u32 $0xF7A, s1;
	s8 =	simm.s32 @!p0 $0x1BF5;
	p2 =	por !p2, p0  }
0x20: {  	[sflag:s8] =	ssyncset.s32 @!p0 $0xFFFFF086;
	s6 =	sadd.s32 @!p0 s3, s7;
	s7 =	simm.s32 @!p0 $0x108  }
0x21: {  	s3 =	sadd.s32 s3, s9;
	s6 =	sadd.s32 @!p0 $0x88, s6;
	s7 =	simm.s32 @p2 $0x1082  }
0x22: {  	[simem:s7], [sflag:s8] =	dma.local @!p0 [hbm:s6], $0xF7A  }
0x23: {  	s9 =	sor.u32 $0xD0000000, s2;
	s6 =	simm.s32 $0x108;
	_ =	swait.ge @!p0 [sflag:s8], $0x0  }
0x24: {  	s3 =	sadd.s32 $0x88, s3;
	s6 =	simm.s32 @!p1 $0x1082;
	[sflag:s4] =	ssyncset.s32 $0xFFFFF086  }
0x25: {  	[simem:s6], [sflag:s4] =	dma.local [hbm:s3], $0xF7A  }
0x26: {  	[smem:$0x3F9B] =	sst s1;
	(tag) =	ssettag s2;
	_ =	strace s9  }
0x27: {  	s1 =	sld [smem:$0x3FAB]  }
0x28: {  	s2 =	sld [smem:$0x3FAC]  }
0x29: {  	s4 =	sld [smem:$0x3FAE]  }
0x2a: {  	p0 =	seq.s32 s5, $0x0;
	s5 =	sld [smem:$0x3FAF]  }
0x2b: {  	s6 =	sld [smem:$0x3FB0]  }
0x2c: {  	s7 =	sld [smem:$0x3FB1]  }
0x2d: {  	s3 =	simm.s32 $0x108;
	s8 =	sld [smem:$0x3FB2]  }
0x2e: {  	s3 =	simm.s32 @!p0 $0x1082;
	s9 =	sld [smem:$0x3FB3]  }
0x2f: {  	lr =	sadd.s32 s0, s3;
	s0 =	sld [smem:$0x3FAA]  }
0x30: {  	s3 =	sld [smem:$0x3FAD]  }
0x31: {  	[smem:$0x3FB6] =	sst s10  }
0x32: {  	s10 =	sld [smem:$0x3FB4];
	_ =	sdelay $0x3  }
0x33: {  	p0 =	seq.s32 s10, $0x1;
	s10 =	sld [smem:$0x3FB6];
	_ =	sdelay $0x3  }
0x34: {  	[smem:$0x3FB6] =	sst s10  }
0x35: {  	s10 =	sld [smem:$0x3FB5];
	_ =	sdelay $0x3  }
0x36: {  	p1 =	seq.s32 s10, $0x1;
	s10 =	sld [smem:$0x3FB6];
	_ =	sdelay $0x3  }
0x37: {  	[smem:$0x3FB6] =	sst s10  }
0x38: {  	s10 =	sld [smem:$0x3FB7]  }
0x39: {  	_ = 	snop;
	(pc) =	sbr.ind lr, $3  }
0x3a: {  	_ = 	snop  }
0x3b: {  	_ = 	snop  }
0x3c: {  	p2 =	seq.s32 s10, $0x1;
	s10 =	sld [smem:$0x3FB6]  }
0x3d: {  	_ =	shalt  }
0x3e: {  	_ =	shalt  }
0x3f: {  	_ =	shalt  }
0x40: {  	_ =	shalt  }
0x41: {  	_ =	shalt  }
0x42: {  	_ =	shalt  }
0x43: {  	_ =	shalt  }
0x44: {  	_ =	shalt  }
0x45: {  	_ =	shalt  }
0x46: {  	_ =	shalt  }
0x47: {  	_ =	shalt  }
0x48: {  	_ =	shalt  }
0x49: {  	_ =	shalt  }
0x4a: {  	_ =	shalt  }
0x4b: {  	_ =	shalt  }
0x4c: {  	_ =	shalt  }
0x4d: {  	_ =	shalt  }
0x4e: {  	_ =	shalt  }
0x4f: {  	_ =	shalt  }
0x50: {  	_ =	shalt  }
0x51: {  	_ =	shalt  }
0x52: {  	_ =	shalt  }
0x53: {  	_ =	shalt  }
0x54: {  	_ =	shalt  }
0x55: {  	_ =	shalt  }
0x56: {  	_ =	shalt  }
0x57: {  	_ =	shalt  }
0x58: {  	_ =	shalt  }
0x59: {  	_ =	shalt  }
0x5a: {  	_ =	shalt  }
0x5b: {  	_ =	shalt  }
0x5c: {  	_ =	shalt  }
0x5d: {  	_ =	shalt  }
0x5e: {  	_ =	shalt  }
0x5f: {  	_ =	shalt  }
0x60: {  	_ =	shalt  }
0x61: {  	_ =	shalt  }
0x62: {  	_ =	shalt  }
0x63: {  	_ =	shalt  }
0x64: {  	_ =	shalt  }
0x65: {  	_ =	shalt  }
0x66: {  	_ =	shalt  }
0x67: {  	_ =	shalt  }
0x68: {  	_ =	shalt  }
0x69: {  	_ =	shalt  }
0x6a: {  	_ =	shalt  }
0x6b: {  	_ =	shalt  }
0x6c: {  	_ =	shalt  }
0x6d: {  	_ =	shalt  }
0x6e: {  	_ =	shalt  }
0x6f: {  	_ =	shalt  }
0x70: {  	_ =	shalt  }
0x71: {  	_ =	shalt  }
0x72: {  	_ =	shalt  }
0x73: {  	_ =	shalt  }
0x74: {  	_ =	shalt  }
0x75: {  	_ =	shalt  }
0x76: {  	_ =	shalt  }
0x77: {  	_ =	shalt  }
0x78: {  	_ =	shalt  }
0x79: {  	_ =	shalt  }
0x7a: {  	_ =	shalt  }
0x7b: {  	_ =	shalt  }
0x7c: {  	_ =	shalt  }
0x7d: {  	_ =	shalt  }
0x7e: {  	_ =	shalt  }
0x7f: {  	_ =	shalt  }
0x80: {  	_ =	shalt  }
0x81: {  	_ =	shalt  }
0x82: {  	_ =	shalt  }
0x83: {  	_ =	shalt  }
0x84: {  	_ =	shalt  }
0x85: {  	_ =	shalt  }
0x86: {  	_ =	shalt  }
0x87: {  	_ =	shalt  }
.Lfunc_end0:
.L_simem_size_0:
called_computation_lowered:
.L_overlay_start_0:
0x88: {  	s2 =	sld [smem:$0x3FD9]  }
0x89: {  	s3 =	sld [smem:$0x3FFE];
	_ =	sdelay $0x1  }
0x8a: {  	s1 =	srdreg.scid  }
0x8b: {  	s0 =	sand.u32 $0x1, s1  }
0x8c: {  	s17 =	sshll.u32 s0, $0xA;
	s2 =	sadd.s32 s3, s2  }
0x8d: {  	s2 =	sadd.s32 s2, s17  }
0x8e: {  	[smem:$0x3FC2] =	sst s2  }
0x8f: {  	_ = 	snop  }
0x90: {  	s2 =	sld [smem:$0x3FD0];
	(tm) =	ssettm $0x1  }
0x91: {  	s18 =	sld [smem:$0x3FFB];
	_ =	sdelay $0x3  }
0x92: {  	_ =	strace s18  }
0x93: {  	s3 =	sld [smem:$0x3FFC];
	_ =	sdelay $0x3  }
0x94: {  	_ =	strace s3  }
0x95: {  	s3 =	sld [smem:$0x3FFD];
	_ =	sdelay $0x3  }
0x96: {  	_ =	strace s3  }
0x97: {  	_ =	strace $0x8FFFFFFF  }
0x98: {  	s19 =	sld [smem:$0x3FDB];
	_ =	sdelay $0x1  }
0x99: {  	s4 =	simm.s32 $_scs_section_size  }
0x9a: {  	s5 =	simm.s32 $_size__tile_overlayer_lowered;
	s6 =	simm.s32 $_tile_overlayer_lowered  }
0x9b: {  	s22 =	simm.s32 $0x1BFF;
	s21 =	sshll.u32 s6, $0x1;
	s3 =	sadd.s32 s4, s19  }
0x9c: {  	s7 =	simm.s32 $0x0;
	s20 =	sshll.u32 s5, $0x1;
	s5 =	sadd.s32 s21, s3  }
0x9d: {  	[timem:s7], [sflag:s22] =	dma.local [hbm:s5], s20  }
0x9e: {  	_ =	swait.ge [sflag:s22], s20  }
0x9f: {  	s4 =	ssub.s32 $0x0, s20;
	[sflag:s22] =	ssyncset.done $0x0  }
0xa0: {  	[sflag:s22] =	ssyncadd.s32 s4;
	_ =	sdelay $0x1  }
0xa1: {  	s23 =	simm.s32 $0x1B8B  }
0xa2: {  	_ =	swait.ge [sflag:s23], $0x1  }
0xa3: {  	[sflag:s23] =	ssyncset.done $0x0  }
0xa4: {  	s25 =	simm.s32 $0x1B8E;
	s24 =	sld [smem:$0x3FFE];
	[sflag:s23] =	ssyncadd.s32 $0xFFFFFFFF  }
0xa5: {  	s26 =	simm.s32 $execute0_lowered;
	[smem:$0x3FD2] =	sst s25  }
0xa6: {  	s5 =	sshll.u32 s26, $0x1;
	_ =	strace $0x80000046;
	[dreg:$0x1] =	wrdreg $0xFFFFFFFF  }
0xa7: {  	s28 =	simm.s32 $_size_execute0_lowered;
	s3 =	sadd.s32 s3, s5;
	[dreg:$0x0] =	wrdreg $0x0  }
0xa8: {  	s5 =	sshll.u32 s28, $0x1;
	[dreg:$0x2] =	wrdreg s3  }
0xa9: {  	[dreg:$0x3] =	wrdreg s5  }
0xaa: {  	[dreg:$0x4] =	wrdreg $0xC0  }
0xab: {  	_ =	task [dreg:s7], $0x5FFFF  }
0xac: {  	[dreg:$0x1] =	wrdreg $0xFFFFFFFF  }
0xad: {  	[dreg:$0x0] =	wrdreg $0x60  }
0xae: {  	[dreg:$0x2] =	wrdreg s24  }
0xaf: {  	[dreg:$0x3] =	wrdreg s2  }
0xb0: {  	[dreg:$0x4] =	wrdreg $0x9  }
0xb1: {  	_ =	task.clear_ibuf [dreg:s7], $0x5FFFF;
	_ =	strace $0x90000046  }
0xb2: {  	s29 =	simm.s32 $0x9;
	_ =	strace $0x80000048  }
0xb3: {  	_ =	swait.ge [sflag:s29], $0x1  }
0xb4: {  	[sflag:s29] =	ssyncadd.s32 $0xFFFFFFFF  }
0xb5: {  	_ =	strace $0x90000048  }
0xb6: {  	_ =	sfence  }
0xb7: {  	s30 =	sld [smem:$0x0];
	_ =	sdelay $0x2  }
0xb8: {  	s31 =	sshll.u32 s1, $0xD;
	s1 =	sshrl.u32 s1, $0x2  }
0xb9: {  	s3 =	sand.u32 $0x4000, s31;
	s1 =	sadd.s32 s1, s30  }
0xba: {  	s0 =	sor.u32 s3, s0;
	s1 =	sshll.u32 s1, $0x11  }
0xbb: {  	s0 =	sor.u32 s1, s0  }
0xbc: {  	s0 =	sadd.s32 $0x8F2B, s0  }
0xbd: {  	[sflag:s0] =	ssyncadd.remote.s32 $0x1  }
0xbe: {  	_ =	sfence.sel $0xFFFF  }
0xbf: {  	[dreg:$0x0] =	wrdreg $0xFFFFFFFF;
	(pc) =	sbr.abs _section_cstart, $3  }
0xc0: {  	[dreg:$0x1] =	wrdreg $0xFFFFFFFF  }
0xc1: {  	_ =	task.clear_ibuf [dreg:s7], $0x2FFFF;
	_ =	strace $0x9FFFFFFF  }
0xc2: {  	(tm) =	ssettm $0x7FFFFFFF  }
0xc3: {  	_ =	shalt  }
tec
execute0_lowered:
.L_overlay_start_1:
0x0: {  	(tag) =	ssettag $0x1  }
0x1: {  	s0 =	rddreg [dreg:$0x0];
	s1 =	srdreg.scid  }
0x2: {  	s2 =	stileid.u32;
	s6 =	rddreg [dreg:$0x1]  }
0x3: {  	s10 =	simm.s32 $0x80;
	s11 =	simm.s32 $0x9000;
	s14 =	simm.s32 $0x9C00  }
0x4: {  	s15 =	simm.s32 $0xC80;
	s16 =	simm.s32 $0x9C80;
	s17 =	simm.s32 $0xD00  }
0x5: {  	v7 =	vlaneseq.u32;
	s18 =	simm.s32 $0x9D00;
	s19 =	simm.s32 $0xD80;
	s20 =	simm.s32 $0x9D80  }
0x6: {  	s21 =	simm.s32 $0xE00;
	s22 =	simm.s32 $0x9E00;
	s23 =	simm.s32 $0xE80;
	v0 =	vmul.u32 $0x9, v7;
	v5 =	vand.u32 $0x7, v7  }
0x7: {  	s24 =	simm.s32 $0x9E80;
	s28 =	simm.s32 $0xF80;
	s29 =	simm.s32 $0x9F80;
	v7 =	vmul.u32 $0x10, v7;
	v10 =	vmul.u32 $0x10, v5  }
0x8: {  	s30 =	simm.s32 $0x1;
	s31 =	simm.s32 $0x12000;
	s1 =	sand.u32 $0x1, s1;
	v1 =	vadd.s32 $0x1, v0;
	v2 =	vadd.s32 $0x2, v0;
	v3 =	vadd.s32 $0x3, v0  }
0x9: {  	s3 =	sshll.u32 s2, $0x1;
	s2 =	simm.s32 $0x0;
	s4 =	sadd.s32 $0x66A00, s0;
	v4 =	vadd.s32 $0x4, v0;
	v5 =	vadd.s32 $0x5, v0;
	v6 =	vadd.s32 $0x6, v0  }
0xa: {  	s5 =	sor.u32 s1, s3;
	[smem:$0x7FF] =	sst s2;
	s1 =	ssub.s32 $0x2, s1;
	v8 =	vadd.s32 $0x7, v0;
	v9 =	vadd.s32 $0x8, v0;
	v11 =	vor.u32 $0x1, v7  }
0xb: {  	s3 =	smul.u32 $0x1200, s5;
	s8 =	sshrl.u32 s1, $0x1;
	s26 =	sshll.u32 s5, $0x5;
	v12 =	vor.u32 $0x2, v7;
	v13 =	vor.u32 $0x3, v7;
	v14 =	vor.u32 $0x4, v7  }
0xc: {  	_ =	strace $0x80000047;
	v15 =	vor.u32 $0x5, v7;
	v16 =	vor.u32 $0x6, v7;
	v17 =	vor.u32 $0x7, v7;
	s25 =	ssub.s32 s1, s8;
	s6 =	sadd.s32 s6, s26  }
0xd: {  	v18 =	vor.u32 $0x8, v7;
	v19 =	vor.u32 $0x9, v7;
	v20 =	vor.u32 $0xA, v7;
	s8 =	simm.s32 $0x2;
	s26 =	simm.s32 $0x9F00;
	s1 =	simm.s32 $0x13000  }
0xe: {  	v21 =	vor.u32 $0xB, v7;
	v22 =	vor.u32 $0xC, v7;
	v23 =	vor.u32 $0xD, v7;
	s7 =	sadd.s32 s3, s0;
	s3 =	sadd.s32 $0x1A00, s0;
	s0 =	simm.s32 $0x0  }
0xf: {  	v24 =	vor.u32 $0xE, v7;
	v25 =	vor.u32 $0xF, v7;
	v10 =	vor.u32 $0xFFFFFF80, v10;
	s5 =	sadd.s32 $0x201A00, s7;
	s7 =	smax.u32 s25, $0x1;
	s25 =	simm.s32 $0xF00  }
.LBB2_1:
0x10: {  	[tilespmem:s2], [sflag:$0x2] =	stream.linear.gather [hbm4b:s5+s2], $0x9000, $0x38;
	[tilespmem:$0x13180] =	vst v63  }
0x11: {  	_ =	swait.ge [sflag:s8], $0x9000  }
0x12: {  	[sflag:s8] =	ssyncset.done $0x0  }
0x13: {  	s9 =	simm.s32 $0x13100;
	[sflag:s8] =	ssyncadd.s32 $0xFFFF7000  }
0x14: {  	[tilespmem:s9], [sflag:$0x2] =	stream.linear.gather [hbm4b:s4+s2], $0x80, $0x38;
	[tilespmem:$0x13180] =	vst v63  }
0x15: {  	_ =	swait.ge [sflag:s8], $0x80  }
0x16: {  	[sflag:s8] =	ssyncset.done $0x0  }
0x17: {  	[sflag:s8] =	ssyncadd.s32 $0xFFFFFF80  }
0x18: {  	[tilespmem:s11], [sflag:$0x1] =	stream.indirect.gather [hbm4b:s3+s10], $0x1, s2, s10, $0xb8;
	[tilespmem:$0x13180] =	vst v63  }
0x19: {  	s12 =	simm.s32 $0x9080  }
0x1a: {  	[tilespmem:s12], [sflag:$0x1] =	stream.indirect.gather [hbm4b:s3+s10], $0x1, s10, s10, $0xb8;
	[tilespmem:$0x13180] =	vst v63  }
0x1b: {  	s13 =	simm.s32 $0x100;
	s12 =	simm.s32 $0x9100  }
0x1c: {  	[tilespmem:s12], [sflag:$0x1] =	stream.indirect.gather [hbm4b:s3+s10], $0x1, s13, s10, $0xb8;
	[tilespmem:$0x13180] =	vst v63  }
0x1d: {  	s12 =	simm.s32 $0x180;
	s13 =	simm.s32 $0x9180  }
0x1e: {  	[tilespmem:s13], [sflag:$0x1] =	stream.indirect.gather [hbm4b:s3+s10], $0x1, s12, s10, $0xb8;
	[tilespmem:$0x13180] =	vst v63  }
0x1f: {  	s12 =	simm.s32 $0x200;
	s13 =	simm.s32 $0x9200  }
0x20: {  	[tilespmem:s13], [sflag:$0x1] =	stream.indirect.gather [hbm4b:s3+s10], $0x1, s12, s10, $0xb8;
	[tilespmem:$0x13180] =	vst v63  }
0x21: {  	s12 =	simm.s32 $0x280;
	s13 =	simm.s32 $0x9280  }
0x22: {  	[tilespmem:s13], [sflag:$0x1] =	stream.indirect.gather [hbm4b:s3+s10], $0x1, s12, s10, $0xb8;
	[tilespmem:$0x13180] =	vst v63  }
0x23: {  	s12 =	simm.s32 $0x300;
	s13 =	simm.s32 $0x9300  }
0x24: {  	[tilespmem:s13], [sflag:$0x1] =	stream.indirect.gather [hbm4b:s3+s10], $0x1, s12, s10, $0xb8;
	[tilespmem:$0x13180] =	vst v63  }
0x25: {  	s12 =	simm.s32 $0x380;
	s13 =	simm.s32 $0x9380  }
0x26: {  	[tilespmem:s13], [sflag:$0x1] =	stream.indirect.gather [hbm4b:s3+s10], $0x1, s12, s10, $0xb8;
	[tilespmem:$0x13180] =	vst v63  }
0x27: {  	s12 =	simm.s32 $0x400;
	s13 =	simm.s32 $0x9400  }
0x28: {  	[tilespmem:s13], [sflag:$0x1] =	stream.indirect.gather [hbm4b:s3+s10], $0x1, s12, s10, $0xb8;
	[tilespmem:$0x13180] =	vst v63  }
0x29: {  	s12 =	simm.s32 $0x480;
	s13 =	simm.s32 $0x9480  }
0x2a: {  	[tilespmem:s13], [sflag:$0x1] =	stream.indirect.gather [hbm4b:s3+s10], $0x1, s12, s10, $0xb8;
	[tilespmem:$0x13180] =	vst v63  }
0x2b: {  	s12 =	simm.s32 $0x500;
	s13 =	simm.s32 $0x9500  }
0x2c: {  	[tilespmem:s13], [sflag:$0x1] =	stream.indirect.gather [hbm4b:s3+s10], $0x1, s12, s10, $0xb8;
	[tilespmem:$0x13180] =	vst v63  }
0x2d: {  	s12 =	simm.s32 $0x580;
	s13 =	simm.s32 $0x9580  }
0x2e: {  	[tilespmem:s13], [sflag:$0x1] =	stream.indirect.gather [hbm4b:s3+s10], $0x1, s12, s10, $0xb8;
	[tilespmem:$0x13180] =	vst v63  }
0x2f: {  	s12 =	simm.s32 $0x600;
	s13 =	simm.s32 $0x9600  }
0x30: {  	[tilespmem:s13], [sflag:$0x1] =	stream.indirect.gather [hbm4b:s3+s10], $0x1, s12, s10, $0xb8;
	[tilespmem:$0x13180] =	vst v63  }
0x31: {  	s12 =	simm.s32 $0x680;
	s13 =	simm.s32 $0x9680  }
0x32: {  	[tilespmem:s13], [sflag:$0x1] =	stream.indirect.gather [hbm4b:s3+s10], $0x1, s12, s10, $0xb8;
	[tilespmem:$0x13180] =	vst v63  }
0x33: {  	s12 =	simm.s32 $0x700;
	s13 =	simm.s32 $0x9700  }
0x34: {  	[tilespmem:s13], [sflag:$0x1] =	stream.indirect.gather [hbm4b:s3+s10], $0x1, s12, s10, $0xb8;
	[tilespmem:$0x13180] =	vst v63  }
0x35: {  	s12 =	simm.s32 $0x780;
	s13 =	simm.s32 $0x9780  }
0x36: {  	[tilespmem:s13], [sflag:$0x1] =	stream.indirect.gather [hbm4b:s3+s10], $0x1, s12, s10, $0xb8;
	[tilespmem:$0x13180] =	vst v63  }
0x37: {  	s12 =	simm.s32 $0x800;
	s13 =	simm.s32 $0x9800  }
0x38: {  	[tilespmem:s13], [sflag:$0x1] =	stream.indirect.gather [hbm4b:s3+s10], $0x1, s12, s10, $0xb8;
	[tilespmem:$0x13180] =	vst v63  }
0x39: {  	s12 =	simm.s32 $0x880;
	s13 =	simm.s32 $0x9880  }
0x3a: {  	[tilespmem:s13], [sflag:$0x1] =	stream.indirect.gather [hbm4b:s3+s10], $0x1, s12, s10, $0xb8;
	[tilespmem:$0x13180] =	vst v63  }
0x3b: {  	s12 =	simm.s32 $0x900;
	s13 =	simm.s32 $0x9900  }
0x3c: {  	[tilespmem:s13], [sflag:$0x1] =	stream.indirect.gather [hbm4b:s3+s10], $0x1, s12, s10, $0xb8;
	[tilespmem:$0x13180] =	vst v63  }
0x3d: {  	s12 =	simm.s32 $0x980;
	s13 =	simm.s32 $0x9980  }
0x3e: {  	[tilespmem:s13], [sflag:$0x1] =	stream.indirect.gather [hbm4b:s3+s10], $0x1, s12, s10, $0xb8;
	[tilespmem:$0x13180] =	vst v63  }
0x3f: {  	s12 =	simm.s32 $0xA00;
	s13 =	simm.s32 $0x9A00  }
0x40: {  	[tilespmem:s13], [sflag:$0x1] =	stream.indirect.gather [hbm4b:s3+s10], $0x1, s12, s10, $0xb8;
	[tilespmem:$0x13180] =	vst v63  }
0x41: {  	s12 =	simm.s32 $0xA80;
	s13 =	simm.s32 $0x9A80  }
0x42: {  	[tilespmem:s13], [sflag:$0x1] =	stream.indirect.gather [hbm4b:s3+s10], $0x1, s12, s10, $0xb8;
	[tilespmem:$0x13180] =	vst v63  }
0x43: {  	s12 =	simm.s32 $0xB00;
	s13 =	simm.s32 $0x9B00  }
0x44: {  	[tilespmem:s13], [sflag:$0x1] =	stream.indirect.gather [hbm4b:s3+s10], $0x1, s12, s10, $0xb8;
	[tilespmem:$0x13180] =	vst v63  }
0x45: {  	s12 =	simm.s32 $0xB80;
	s13 =	simm.s32 $0x9B80  }
0x46: {  	[tilespmem:s13], [sflag:$0x1] =	stream.indirect.gather [hbm4b:s3+s10], $0x1, s12, s10, $0xb8;
	[tilespmem:$0x13180] =	vst v63  }
0x47: {  	s13 =	simm.s32 $0xC00  }
0x48: {  	[tilespmem:s14], [sflag:$0x1] =	stream.indirect.gather [hbm4b:s3+s10], $0x1, s13, s10, $0xb8;
	[tilespmem:$0x13180] =	vst v63  }
0x49: {  	_ = 	snop  }
0x4a: {  	[tilespmem:s16], [sflag:$0x1] =	stream.indirect.gather [hbm4b:s3+s10], $0x1, s15, s10, $0xb8;
	[tilespmem:$0x13180] =	vst v63  }
0x4b: {  	_ = 	snop  }
0x4c: {  	[tilespmem:s18], [sflag:$0x1] =	stream.indirect.gather [hbm4b:s3+s10], $0x1, s17, s10, $0xb8;
	[tilespmem:$0x13180] =	vst v63  }
0x4d: {  	_ = 	snop  }
0x4e: {  	[tilespmem:s20], [sflag:$0x1] =	stream.indirect.gather [hbm4b:s3+s10], $0x1, s19, s10, $0xb8;
	[tilespmem:$0x13180] =	vst v63  }
0x4f: {  	_ = 	snop  }
0x50: {  	[tilespmem:s22], [sflag:$0x1] =	stream.indirect.gather [hbm4b:s3+s10], $0x1, s21, s10, $0xb8;
	[tilespmem:$0x13180] =	vst v63  }
0x51: {  	_ = 	snop  }
0x52: {  	[tilespmem:s24], [sflag:$0x1] =	stream.indirect.gather [hbm4b:s3+s10], $0x1, s23, s10, $0xb8;
	[tilespmem:$0x13180] =	vst v63  }
0x53: {  	_ = 	snop  }
0x54: {  	[tilespmem:s26], [sflag:$0x1] =	stream.indirect.gather [hbm4b:s3+s10], $0x1, s25, s10, $0xb8;
	[tilespmem:$0x13180] =	vst v63  }
0x55: {  	_ = 	snop  }
0x56: {  	[tilespmem:s29], [sflag:$0x1] =	stream.indirect.gather [hbm4b:s3+s10], $0x1, s28, s10, $0xb8;
	[tilespmem:$0x13180] =	vst v63  }
0x57: {  	s12 =	simm.s32 $0xA000;
	s13 =	simm.s32 $0x1000  }
0x58: {  	[tilespmem:s12], [sflag:$0x1] =	stream.indirect.gather [hbm4b:s3+s10], $0x1, s13, s10, $0xb8;
	[tilespmem:$0x13180] =	vst v63  }
0x59: {  	s9 =	simm.s32 $0x200;
	_ =	swait.ge [sflag:s30], $0x80  }
.LBB2_2:
0x5a: {  	s12 =	sshra.s32 s9, $0x2  }
0x5b: {  	[sflag:s30] =	ssyncset.done $0x0;
	p0 =	sne.s32 s9, $0x1FE00;
	s13 =	sadd.s32 $0xA000, s12  }
.Ltmp0:
0x5c: {  	s12 =	sadd.s32 $0x1000, s12;
	[sflag:s30] =	ssyncadd.s32 $0xFFFFFF80;
	(pc) =	sbr.rel @p0 .LBB2_2-.Ltmp0, $3  }
0x5d: {  	[tilespmem:s13], [sflag:$0x1] =	stream.indirect.gather [hbm4b:s3+s10], $0x1, s12, s10, $0xb8;
	[tilespmem:$0x13180] =	vst v63  }
0x5e: {  	s9 =	sadd.s32 $0x200, s9;
	_ =	sdelay $0x1  }
0x5f: {  	_ =	swait.ge [sflag:s30], $0x80  }
0x60: {  	[sflag:s30] =	ssyncset.done $0x0  }
0x61: {  	[sflag:s30] =	ssyncadd.s32 $0xFFFFFF80  }
0x62: {  	_ =	swait.ge [sflag:s30], $0x80  }
0x63: {  	[sflag:s30] =	ssyncset.done $0x0  }
0x64: {  	[sflag:s30] =	ssyncadd.s32 $0xFFFFFF80  }
0x65: {  	_ =	swait.ge [sflag:s30], $0x80  }
0x66: {  	[sflag:s30] =	ssyncset.done $0x0  }
0x67: {  	[sflag:s30] =	ssyncadd.s32 $0xFFFFFF80  }
0x68: {  	_ =	swait.ge [sflag:s30], $0x80  }
0x69: {  	[sflag:s30] =	ssyncset.done $0x0  }
0x6a: {  	[sflag:s30] =	ssyncadd.s32 $0xFFFFFF80  }
0x6b: {  	_ =	swait.ge [sflag:s30], $0x80  }
0x6c: {  	[sflag:s30] =	ssyncset.done $0x0  }
0x6d: {  	[sflag:s30] =	ssyncadd.s32 $0xFFFFFF80  }
0x6e: {  	_ =	swait.ge [sflag:s30], $0x80  }
0x6f: {  	[sflag:s30] =	ssyncset.done $0x0  }
0x70: {  	[sflag:s30] =	ssyncadd.s32 $0xFFFFFF80  }
0x71: {  	_ =	swait.ge [sflag:s30], $0x80  }
0x72: {  	[sflag:s30] =	ssyncset.done $0x0  }
0x73: {  	[sflag:s30] =	ssyncadd.s32 $0xFFFFFF80  }
0x74: {  	_ =	swait.ge [sflag:s30], $0x80  }
0x75: {  	[sflag:s30] =	ssyncset.done $0x0  }
0x76: {  	[sflag:s30] =	ssyncadd.s32 $0xFFFFFF80  }
0x77: {  	_ =	swait.ge [sflag:s30], $0x80  }
0x78: {  	[sflag:s30] =	ssyncset.done $0x0  }
0x79: {  	[sflag:s30] =	ssyncadd.s32 $0xFFFFFF80  }
0x7a: {  	_ =	swait.ge [sflag:s30], $0x80  }
0x7b: {  	[sflag:s30] =	ssyncset.done $0x0  }
0x7c: {  	[sflag:s30] =	ssyncadd.s32 $0xFFFFFF80  }
0x7d: {  	_ =	swait.ge [sflag:s30], $0x80  }
0x7e: {  	[sflag:s30] =	ssyncset.done $0x0  }
0x7f: {  	[sflag:s30] =	ssyncadd.s32 $0xFFFFFF80  }
0x80: {  	_ =	swait.ge [sflag:s30], $0x80  }
0x81: {  	[sflag:s30] =	ssyncset.done $0x0  }
0x82: {  	[sflag:s30] =	ssyncadd.s32 $0xFFFFFF80  }
0x83: {  	_ =	swait.ge [sflag:s30], $0x80  }
0x84: {  	[sflag:s30] =	ssyncset.done $0x0  }
0x85: {  	[sflag:s30] =	ssyncadd.s32 $0xFFFFFF80  }
0x86: {  	_ =	swait.ge [sflag:s30], $0x80  }
0x87: {  	[sflag:s30] =	ssyncset.done $0x0  }
0x88: {  	[sflag:s30] =	ssyncadd.s32 $0xFFFFFF80  }
0x89: {  	_ =	swait.ge [sflag:s30], $0x80  }
0x8a: {  	[sflag:s30] =	ssyncset.done $0x0  }
0x8b: {  	[sflag:s30] =	ssyncadd.s32 $0xFFFFFF80  }
0x8c: {  	_ =	swait.ge [sflag:s30], $0x80  }
0x8d: {  	[sflag:s30] =	ssyncset.done $0x0  }
0x8e: {  	[sflag:s30] =	ssyncadd.s32 $0xFFFFFF80  }
0x8f: {  	_ =	swait.ge [sflag:s30], $0x80  }
0x90: {  	[sflag:s30] =	ssyncset.done $0x0  }
0x91: {  	[sflag:s30] =	ssyncadd.s32 $0xFFFFFF80  }
0x92: {  	_ =	swait.ge [sflag:s30], $0x80  }
0x93: {  	[sflag:s30] =	ssyncset.done $0x0  }
0x94: {  	[sflag:s30] =	ssyncadd.s32 $0xFFFFFF80  }
0x95: {  	_ =	swait.ge [sflag:s30], $0x80  }
0x96: {  	[sflag:s30] =	ssyncset.done $0x0  }
0x97: {  	[sflag:s30] =	ssyncadd.s32 $0xFFFFFF80  }
0x98: {  	_ =	swait.ge [sflag:s30], $0x80  }
0x99: {  	[sflag:s30] =	ssyncset.done $0x0  }
0x9a: {  	[sflag:s30] =	ssyncadd.s32 $0xFFFFFF80  }
0x9b: {  	_ =	swait.ge [sflag:s30], $0x80  }
0x9c: {  	[sflag:s30] =	ssyncset.done $0x0  }
0x9d: {  	[sflag:s30] =	ssyncadd.s32 $0xFFFFFF80  }
0x9e: {  	_ =	swait.ge [sflag:s30], $0x80  }
0x9f: {  	[sflag:s30] =	ssyncset.done $0x0  }
0xa0: {  	[sflag:s30] =	ssyncadd.s32 $0xFFFFFF80  }
0xa1: {  	_ =	swait.ge [sflag:s30], $0x80  }
0xa2: {  	[sflag:s30] =	ssyncset.done $0x0  }
0xa3: {  	[sflag:s30] =	ssyncadd.s32 $0xFFFFFF80  }
0xa4: {  	_ =	swait.ge [sflag:s30], $0x80  }
0xa5: {  	[sflag:s30] =	ssyncset.done $0x0  }
0xa6: {  	[sflag:s30] =	ssyncadd.s32 $0xFFFFFF80  }
0xa7: {  	_ =	swait.ge [sflag:s30], $0x80  }
0xa8: {  	[sflag:s30] =	ssyncset.done $0x0  }
0xa9: {  	[sflag:s30] =	ssyncadd.s32 $0xFFFFFF80  }
0xaa: {  	_ =	swait.ge [sflag:s30], $0x80  }
0xab: {  	[sflag:s30] =	ssyncset.done $0x0  }
0xac: {  	[sflag:s30] =	ssyncadd.s32 $0xFFFFFF80  }
0xad: {  	_ =	swait.ge [sflag:s30], $0x80  }
0xae: {  	[sflag:s30] =	ssyncset.done $0x0  }
0xaf: {  	[sflag:s30] =	ssyncadd.s32 $0xFFFFFF80  }
0xb0: {  	_ =	swait.ge [sflag:s30], $0x80  }
0xb1: {  	[sflag:s30] =	ssyncset.done $0x0  }
0xb2: {  	[sflag:s30] =	ssyncadd.s32 $0xFFFFFF80  }
0xb3: {  	_ =	swait.ge [sflag:s30], $0x80  }
0xb4: {  	[sflag:s30] =	ssyncset.done $0x0  }
0xb5: {  	[sflag:s30] =	ssyncadd.s32 $0xFFFFFF80  }
0xb6: {  	_ =	swait.ge [sflag:s30], $0x80  }
0xb7: {  	s9 =	simm.s32 $0x0;
	[sflag:s30] =	ssyncset.done $0x0  }
0xb8: {  	v26 =	vmov s9;
	[sflag:s30] =	ssyncadd.s32 $0xFFFFFF80  }
0xb9: {  	v26 =	vmul.u32 $0x9, v26;
	_ =	swait.ge [sflag:s30], $0x80  }
0xba: {  	[sflag:s30] =	ssyncset.done $0x0  }
0xbb: {  	v26 =	vbroadcast v26, $0x0;
	[sflag:s30] =	ssyncadd.s32 $0xFFFFFF80  }
0xbc: {  	_ =	swait.ge [sflag:s30], $0x80  }
0xbd: {  	v27 =	vadd.s32 v1, v26;
	[sflag:s30] =	ssyncset.done $0x0  }
0xbe: {  	v28 =	vadd.s32 v0, v26;
	[sflag:s30] =	ssyncadd.s32 $0xFFFFFF80  }
0xbf: {  	_ =	swait.ge [sflag:s30], $0x80  }
0xc0: {  	v29 =	vadd.s32 v2, v26;
	[sflag:s30] =	ssyncset.done $0x0  }
0xc1: {  	[sflag:s30] =	ssyncadd.s32 $0xFFFFFF80  }
0xc2: {  	v30 =	vadd.s32 v3, v26;
	v27 =	vld.idx.msk [tilespmem:v27+s11+$0x0], $0xffff  }
0xc3: {  	v28 =	vld.idx.msk [tilespmem:v28+s11+$0x0], $0xffff  }
0xc4: {  	v31 =	vadd.s32 v4, v26  }
0xc5: {  	v29 =	vld.idx.msk [tilespmem:v29+s11+$0x0], $0xffff  }
0xc6: {  	v32 =	vadd.s32 v5, v26  }
0xc7: {  	v30 =	vld.idx.msk [tilespmem:v30+s11+$0x0], $0xffff  }
0xc8: {  	v33 =	vadd.s32 v6, v26;
	v27 =	vadd.f32 v27, v28  }
0xc9: {  	v28 =	vld.idx.msk [tilespmem:v31+s11+$0x0], $0xffff  }
0xca: {  	v31 =	vadd.s32 v8, v26;
	v27 =	vadd.f32 v29, v27  }
0xcb: {  	v29 =	vld.idx.msk [tilespmem:v32+s11+$0x0], $0xffff  }
0xcc: {  	v26 =	vadd.s32 v9, v26;
	v27 =	vadd.f32 v30, v27  }
0xcd: {  	v30 =	vld.idx.msk [tilespmem:v33+s11+$0x0], $0xffff  }
0xce: {  	s12 =	simm.s32 $0x10;
	v27 =	vadd.f32 v28, v27  }
0xcf: {  	v28 =	vld.idx.msk [tilespmem:v31+s11+$0x0], $0xffff;
	v31 =	vmov s12  }
0xd0: {  	v31 =	vmul.u32 $0x9, v31;
	v27 =	vadd.f32 v29, v27  }
0xd1: {  	v26 =	vld.idx.msk [tilespmem:v26+s11+$0x0], $0xffff  }
0xd2: {  	v29 =	vbroadcast v31, $0x0;
	v27 =	vadd.f32 v30, v27;
	_ =	sdelay $0x1  }
0xd3: {  	v30 =	vadd.s32 v1, v29;
	v27 =	vadd.f32 v28, v27  }
0xd4: {  	v28 =	vadd.s32 v0, v29  }
0xd5: {  	v26 =	vadd.f32 v26, v27  }
0xd6: {  	s12 =	simm.s32 $0x12000;
	v27 =	vadd.s32 v2, v29  }
0xd7: {  	[tilespmem:s12+$0x0] =	vst v26  }
0xd8: {  	v26 =	vld.idx.msk [tilespmem:v30+s11+$0x0], $0xffff;
	v30 =	vadd.s32 v3, v29  }
0xd9: {  	v28 =	vld.idx.msk [tilespmem:v28+s11+$0x0], $0xffff  }
0xda: {  	v31 =	vadd.s32 v4, v29  }
0xdb: {  	v27 =	vld.idx.msk [tilespmem:v27+s11+$0x0], $0xffff  }
0xdc: {  	v62 =	vadd.s32 v5, v29  }
0xdd: {  	v30 =	vld.idx.msk [tilespmem:v30+s11+$0x0], $0xffff  }
0xde: {  	v26 =	vadd.f32 v26, v28;
	v28 =	vadd.s32 v6, v29  }
0xdf: {  	v31 =	vld.idx.msk [tilespmem:v31+s11+$0x0], $0xffff  }
0xe0: {  	v63 =	vadd.s32 v8, v29;
	v26 =	vadd.f32 v27, v26  }
0xe1: {  	v34 =	vadd.s32 v9, v29;
	v32 =	vld.idx.msk [tilespmem:v62+s11+$0x0], $0xffff  }
0xe2: {  	v27 =	vadd.f32 v30, v26  }
0xe3: {  	v26 =	vld.idx.msk [tilespmem:v28+s11+$0x0], $0xffff  }
0xe4: {  	s13 =	simm.s32 $0x20;
	v28 =	vadd.f32 v31, v27  }
0xe5: {  	v29 =	vmov s13;
	v27 =	vld.idx.msk [tilespmem:v63+s11+$0x0], $0xffff  }
0xe6: {  	s13 =	simm.s32 $0x30;
	v29 =	vmul.u32 $0x9, v29;
	v30 =	vadd.f32 v32, v28;
	v28 =	vld.idx.msk [tilespmem:v34+s11+$0x0], $0xffff  }
.LBB2_4:
0xe7: {  	p0 =	sne.s32 s13, $0xFF0  }
0xe8: {  	v29 =	vbroadcast v29, $0x0;
	v26 =	vadd.f32 v26, v30;
	_ =	sdelay $0x1  }
0xe9: {  	v30 =	vadd.s32 v1, v29;
	v26 =	vadd.f32 v27, v26  }
0xea: {  	v27 =	vadd.s32 v0, v29  }
0xeb: {  	v26 =	vadd.f32 v28, v26  }
0xec: {  	s12 =	sadd.s32 $0x10, s12;
	v28 =	vadd.s32 v2, v29  }
0xed: {  	[tilespmem:s12+$0x0] =	vst v26  }
0xee: {  	v26 =	vld.idx.msk [tilespmem:v30+s11+$0x0], $0xffff;
	v30 =	vadd.s32 v3, v29  }
0xef: {  	v27 =	vld.idx.msk [tilespmem:v27+s11+$0x0], $0xffff  }
0xf0: {  	v31 =	vadd.s32 v4, v29  }
0xf1: {  	v28 =	vld.idx.msk [tilespmem:v28+s11+$0x0], $0xffff  }
0xf2: {  	v32 =	vadd.s32 v5, v29  }
0xf3: {  	v30 =	vld.idx.msk [tilespmem:v30+s11+$0x0], $0xffff  }
0xf4: {  	v33 =	vadd.s32 v6, v29  }
0xf5: {  	v26 =	vadd.f32 v26, v27;
	v27 =	vld.idx.msk [tilespmem:v31+s11+$0x0], $0xffff  }
0xf6: {  	v31 =	vadd.s32 v8, v29  }
0xf7: {  	v26 =	vadd.f32 v28, v26;
	v28 =	vld.idx.msk [tilespmem:v32+s11+$0x0], $0xffff  }
0xf8: {  	v32 =	vadd.s32 v9, v29  }
.Ltmp1:
0xf9: {  	v29 =	vadd.f32 v30, v26;
	v26 =	vld.idx.msk [tilespmem:v33+s11+$0x0], $0xffff;
	(pc) =	sbr.rel @p0 .LBB2_4-.Ltmp1, $4  }
0xfa: {  	_ = 	snop  }
0xfb: {  	v30 =	vadd.f32 v27, v29;
	v27 =	vld.idx.msk [tilespmem:v31+s11+$0x0], $0xffff  }
0xfc: {  	v29 =	vmov s13  }
0xfd: {  	s13 =	sadd.s32 $0x10, s13;
	v29 =	vmul.u32 $0x9, v29;
	v30 =	vadd.f32 v28, v30;
	v28 =	vld.idx.msk [tilespmem:v32+s11+$0x0], $0xffff  }
0xfe: {  	_ = 	snop  }
0xff: {  	v29 =	vbroadcast v29, $0x0;
	v26 =	vadd.f32 v26, v30;
	_ =	sdelay $0x1  }
0x100: {  	v55 =	vadd.s32 v1, v29;
	v26 =	vadd.f32 v27, v26  }
0x101: {  	v27 =	vadd.s32 v0, v29  }
0x102: {  	v26 =	vadd.f32 v28, v26  }
0x103: {  	s12 =	sadd.s32 $0x10, s12;
	v28 =	vadd.s32 v2, v29  }
0x104: {  	[tilespmem:s12+$0x0] =	vst v26  }
0x105: {  	v56 =	vadd.s32 v3, v29;
	v26 =	vld.idx.msk [tilespmem:v55+s11+$0x0], $0xffff  }
0x106: {  	v27 =	vld.idx.msk [tilespmem:v27+s11+$0x0], $0xffff  }
0x107: {  	v31 =	vadd.s32 v4, v29  }
0x108: {  	v28 =	vld.idx.msk [tilespmem:v28+s11+$0x0], $0xffff  }
0x109: {  	v32 =	vadd.s32 v5, v29  }
0x10a: {  	v30 =	vld.idx.msk [tilespmem:v56+s11+$0x0], $0xffff  }
0x10b: {  	v33 =	vadd.s32 v6, v29;
	v26 =	vadd.f32 v26, v27  }
0x10c: {  	v27 =	vld.idx.msk [tilespmem:v31+s11+$0x0], $0xffff  }
0x10d: {  	v57 =	vadd.s32 v8, v29;
	v26 =	vadd.f32 v28, v26  }
0x10e: {  	v28 =	vld.idx.msk [tilespmem:v32+s11+$0x0], $0xffff  }
0x10f: {  	v29 =	vadd.s32 v9, v29;
	v26 =	vadd.f32 v30, v26  }
0x110: {  	v58 =	vld.idx.msk [tilespmem:v33+s11+$0x0], $0xffff  }
0x111: {  	v26 =	vadd.f32 v27, v26  }
0x112: {  	v27 =	vld.idx.msk [tilespmem:v57+s11+$0x0], $0xffff  }
0x113: {  	v26 =	vadd.f32 v28, v26  }
0x114: {  	v28 =	vld.idx.msk [tilespmem:v29+s11+$0x0], $0xffff  }
0x115: {  	v26 =	vadd.f32 v58, v26;
	_ =	sdelay $0x1  }
0x116: {  	v29 =	vor.u32 s9, v11;
	v26 =	vadd.f32 v27, v26;
	v27 =	vor.u32 s9, v7  }
0x117: {  	v27 =	vand.u32 v10, v27  }
0x118: {  	v26 =	vadd.f32 v28, v26;
	v28 =	vor.u32 s9, v12  }
0x119: {  	v59 =	vor.u32 s9, v13;
	s12 =	sadd.s32 $0x10, s12  }
0x11a: {  	[tilespmem:s12+$0x0] =	vst v26;
	v26 =	vor.u32 s9, v14  }
0x11b: {  	v60 =	vor.u32 s9, v15;
	v29 =	vld.idx.msk [tilespmem:v29+s31+$0x0], $0xffff  }
0x11c: {  	v61 =	vor.u32 s9, v16;
	v27 =	vld.idx.msk [tilespmem:v27+s31+$0x0], $0xffff  }
0x11d: {  	v62 =	vor.u32 s9, v17;
	v28 =	vld.idx.msk [tilespmem:v28+s31+$0x0], $0xffff  }
0x11e: {  	v34 =	vor.u32 s9, v18;
	v30 =	vld.idx.msk [tilespmem:v59+s31+$0x0], $0xffff  }
0x11f: {  	v35 =	vor.u32 s9, v19;
	v26 =	vld.idx.msk [tilespmem:v26+s31+$0x0], $0xffff  }
0x120: {  	v36 =	vor.u32 s9, v20;
	v31 =	vld.idx.msk [tilespmem:v60+s31+$0x0], $0xffff  }
0x121: {  	v37 =	vor.u32 s9, v21;
	v32 =	vld.idx.msk [tilespmem:v61+s31+$0x0], $0xffff;
	v27 =	vmax.f32 v27, v29  }
0x122: {  	v63 =	vor.u32 s9, v22;
	v29 =	vld.idx.msk [tilespmem:v62+s31+$0x0], $0xffff;
	v27 =	vmax.f32 v27, v28  }
0x123: {  	v40 =	vor.u32 s9, v23;
	v28 =	vld.idx.msk [tilespmem:v34+s31+$0x0], $0xffff;
	v27 =	vmax.f32 v27, v30  }
0x124: {  	v42 =	vor.u32 s9, v24;
	v41 =	vld.idx.msk [tilespmem:v35+s31+$0x0], $0xffff;
	v26 =	vmax.f32 v27, v26  }
0x125: {  	v43 =	vor.u32 s9, v25;
	v27 =	vld.idx.msk [tilespmem:v36+s31+$0x0], $0xffff;
	v26 =	vmax.f32 v26, v31  }
0x126: {  	v44 =	vld.idx.msk [tilespmem:v37+s31+$0x0], $0xffff;
	v26 =	vmax.f32 v26, v32  }
0x127: {  	v45 =	vld.idx.msk [tilespmem:v63+s31+$0x0], $0xffff;
	v26 =	vmax.f32 v26, v29  }
0x128: {  	v29 =	vld.idx.msk [tilespmem:v40+s31+$0x0], $0xffff;
	v26 =	vmax.f32 v26, v28  }
0x129: {  	v28 =	vld.idx.msk [tilespmem:v42+s31+$0x0], $0xffff;
	v26 =	vmax.f32 v26, v41  }
0x12a: {  	v46 =	vld.idx.msk [tilespmem:v43+s31+$0x0], $0xffff;
	v26 =	vmax.f32 v26, v27  }
0x12b: {  	v27 =	vld [tilespmem:$0x13100];
	v26 =	vmax.f32 v26, v44  }
0x12c: {  	v26 =	vmax.f32 v26, v45  }
0x12d: {  	v26 =	vmax.f32 v26, v29  }
0x12e: {  	v26 =	vmax.f32 v26, v28  }
0x12f: {  	v26 =	vmax.f32 v26, v46  }
0x130: {  	v26 =	vadd.f32 v27, v26;
	_ =	sdelay $0x1  }
0x131: {  	v26 =	vsub.f32 $0.0e+00, v26;
	_ =	sdelay $0x1  }
0x132: {  	v26 =	vmul.f32 $1.442695020e+00, v26;
	_ =	sdelay $0x1  }
0x133: {  	(erf) = vpow2.f32 v26;
	_ =	sdelay $0x8  }
0x134: {  	v26 =	vpop (erf)  }
0x135: {  	v26 =	vadd.f32 $1.000000000e+00, v26;
	_ =	sdelay $0x1  }
0x136: {  	(erf) = vrcp.f32 v26;
	_ =	sdelay $0x4  }
0x137: {  	s13 =	simm.s32 $0x100  }
0x138: {  	v27 =	vor.u32 s13, v11;
	v26 =	vor.u32 s13, v7  }
0x139: {  	v26 =	vand.u32 v10, v26  }
0x13a: {  	v28 =	vor.u32 s13, v12  }
0x13b: {  	s9 =	simm.s32 $0x13000;
	v29 =	vor.u32 s13, v13;
	v47 =	vpop (erf)  }
0x13c: {  	v48 =	vor.u32 s13, v14;
	[tilespmem:s9+$0x0] =	vst v47  }
0x13d: {  	v49 =	vor.u32 s13, v15;
	v27 =	vld.idx.msk [tilespmem:v27+s31+$0x0], $0xffff  }
0x13e: {  	v50 =	vor.u32 s13, v16;
	v26 =	vld.idx.msk [tilespmem:v26+s31+$0x0], $0xffff  }
0x13f: {  	v51 =	vor.u32 s13, v17;
	v28 =	vld.idx.msk [tilespmem:v28+s31+$0x0], $0xffff  }
0x140: {  	v52 =	vor.u32 s13, v18;
	v29 =	vld.idx.msk [tilespmem:v29+s31+$0x0], $0xffff  }
0x141: {  	v53 =	vor.u32 s13, v19;
	v31 =	vld.idx.msk [tilespmem:v48+s31+$0x0], $0xffff  }
0x142: {  	v54 =	vor.u32 s13, v20;
	v30 =	vld.idx.msk [tilespmem:v49+s31+$0x0], $0xffff  }
0x143: {  	v55 =	vor.u32 s13, v21;
	v32 =	vld.idx.msk [tilespmem:v50+s31+$0x0], $0xffff;
	v26 =	vmax.f32 v26, v27  }
0x144: {  	v56 =	vor.u32 s13, v22;
	v27 =	vld.idx.msk [tilespmem:v51+s31+$0x0], $0xffff;
	v26 =	vmax.f32 v26, v28  }
0x145: {  	v57 =	vor.u32 s13, v23;
	v28 =	vld.idx.msk [tilespmem:v52+s31+$0x0], $0xffff;
	v26 =	vmax.f32 v26, v29  }
0x146: {  	v58 =	vor.u32 s13, v24;
	v29 =	vld.idx.msk [tilespmem:v53+s31+$0x0], $0xffff;
	v26 =	vmax.f32 v26, v31  }
0x147: {  	v60 =	vor.u32 s13, v25;
	v59 =	vld.idx.msk [tilespmem:v54+s31+$0x0], $0xffff;
	v26 =	vmax.f32 v26, v30  }
0x148: {  	v61 =	vld.idx.msk [tilespmem:v55+s31+$0x0], $0xffff;
	v26 =	vmax.f32 v26, v32  }
0x149: {  	v62 =	vld.idx.msk [tilespmem:v56+s31+$0x0], $0xffff;
	v26 =	vmax.f32 v26, v27  }
0x14a: {  	v27 =	vld.idx.msk [tilespmem:v57+s31+$0x0], $0xffff;
	v26 =	vmax.f32 v26, v28  }
0x14b: {  	v28 =	vld.idx.msk [tilespmem:v58+s31+$0x0], $0xffff;
	v26 =	vmax.f32 v26, v29  }
0x14c: {  	v29 =	vld.idx.msk [tilespmem:v60+s31+$0x0], $0xffff;
	v26 =	vmax.f32 v26, v59  }
0x14d: {  	v63 =	vld [tilespmem:$0x13100];
	v26 =	vmax.f32 v26, v61  }
0x14e: {  	v26 =	vmax.f32 v26, v62  }
0x14f: {  	v26 =	vmax.f32 v26, v27  }
0x150: {  	v26 =	vmax.f32 v26, v28  }
0x151: {  	v26 =	vmax.f32 v26, v29  }
0x152: {  	v26 =	vadd.f32 v63, v26;
	_ =	sdelay $0x1  }
0x153: {  	v26 =	vsub.f32 $0.0e+00, v26;
	_ =	sdelay $0x1  }
0x154: {  	v26 =	vmul.f32 $1.442695020e+00, v26;
	_ =	sdelay $0x1  }
0x155: {  	(erf) = vpow2.f32 v26;
	_ =	sdelay $0x8  }
0x156: {  	v26 =	vpop (erf)  }
0x157: {  	v26 =	vadd.f32 $1.000000000e+00, v26;
	_ =	sdelay $0x1  }
0x158: {  	(erf) = vrcp.f32 v26;
	_ =	sdelay $0x4  }
0x159: {  	s12 =	simm.s32 $0x200  }
0x15a: {  	s13 =	simm.s32 $0x300;
	v27 =	vor.u32 s12, v7;
	v26 =	vor.u32 s12, v11  }
.LBB2_6:
0x15b: {  	p0 =	sne.s32 s13, $0xF00;
	v27 =	vand.u32 v10, v27  }
0x15c: {  	v28 =	vor.u32 s12, v12  }
0x15d: {  	v29 =	vor.u32 s12, v13;
	s9 =	sadd.s32 $0x10, s9;
	v30 =	vpop (erf)  }
0x15e: {  	v31 =	vor.u32 s12, v14;
	[tilespmem:s9+$0x0] =	vst v30  }
0x15f: {  	v30 =	vor.u32 s12, v15;
	v26 =	vld.idx.msk [tilespmem:v26+s31+$0x0], $0xffff  }
0x160: {  	v32 =	vor.u32 s12, v16;
	v27 =	vld.idx.msk [tilespmem:v27+s31+$0x0], $0xffff  }
0x161: {  	v33 =	vor.u32 s12, v17;
	v28 =	vld.idx.msk [tilespmem:v28+s31+$0x0], $0xffff  }
0x162: {  	v34 =	vor.u32 s12, v18;
	v29 =	vld.idx.msk [tilespmem:v29+s31+$0x0], $0xffff  }
0x163: {  	v35 =	vor.u32 s12, v19;
	v31 =	vld.idx.msk [tilespmem:v31+s31+$0x0], $0xffff  }
0x164: {  	v36 =	vor.u32 s12, v20;
	v30 =	vld.idx.msk [tilespmem:v30+s31+$0x0], $0xffff  }
0x165: {  	v37 =	vor.u32 s12, v21;
	v32 =	vld.idx.msk [tilespmem:v32+s31+$0x0], $0xffff  }
0x166: {  	v26 =	vmax.f32 v27, v26;
	v27 =	vld.idx.msk [tilespmem:v33+s31+$0x0], $0xffff;
	v33 =	vor.u32 s12, v22  }
0x167: {  	v26 =	vmax.f32 v26, v28;
	v28 =	vld.idx.msk [tilespmem:v34+s31+$0x0], $0xffff;
	v34 =	vor.u32 s12, v23  }
0x168: {  	v26 =	vmax.f32 v26, v29;
	v29 =	vld.idx.msk [tilespmem:v35+s31+$0x0], $0xffff;
	v35 =	vor.u32 s12, v24  }
0x169: {  	v26 =	vmax.f32 v26, v31;
	v31 =	vld.idx.msk [tilespmem:v36+s31+$0x0], $0xffff;
	v36 =	vor.u32 s12, v25;
	s12 =	smov.u32 s13  }
0x16a: {  	v26 =	vmax.f32 v26, v30;
	v30 =	vld.idx.msk [tilespmem:v37+s31+$0x0], $0xffff  }
0x16b: {  	v26 =	vmax.f32 v26, v32;
	v32 =	vld.idx.msk [tilespmem:v33+s31+$0x0], $0xffff  }
0x16c: {  	v26 =	vmax.f32 v26, v27;
	v27 =	vld.idx.msk [tilespmem:v34+s31+$0x0], $0xffff  }
0x16d: {  	v26 =	vmax.f32 v26, v28;
	v28 =	vld.idx.msk [tilespmem:v35+s31+$0x0], $0xffff  }
0x16e: {  	v26 =	vmax.f32 v26, v29;
	v29 =	vld.idx.msk [tilespmem:v36+s31+$0x0], $0xffff  }
0x16f: {  	v26 =	vmax.f32 v26, v31  }
0x170: {  	v26 =	vmax.f32 v26, v30;
	v30 =	vld [tilespmem:$0x13100]  }
0x171: {  	v26 =	vmax.f32 v26, v32  }
0x172: {  	v26 =	vmax.f32 v26, v27  }
0x173: {  	v26 =	vmax.f32 v26, v28  }
0x174: {  	v26 =	vmax.f32 v26, v29  }
0x175: {  	v26 =	vadd.f32 v30, v26;
	_ =	sdelay $0x1  }
0x176: {  	v26 =	vsub.f32 $0.0e+00, v26;
	_ =	sdelay $0x1  }
0x177: {  	v26 =	vmul.f32 $1.442695020e+00, v26;
	_ =	sdelay $0x1  }
0x178: {  	(erf) = vpow2.f32 v26;
	_ =	sdelay $0x8  }
0x179: {  	v26 =	vpop (erf)  }
0x17a: {  	v26 =	vadd.f32 $1.000000000e+00, v26;
	_ =	sdelay $0x1  }
0x17b: {  	(erf) = vrcp.f32 v26;
	_ =	sdelay $0x1  }
.Ltmp2:
0x17c: {  	(pc) =	sbr.rel @p0 .LBB2_6-.Ltmp2, $2  }
0x17d: {  	_ =	sdelay $0x2  }
0x17e: {  	s13 =	sadd.s32 $0x100, s13;
	v27 =	vor.u32 s12, v7;
	v26 =	vor.u32 s12, v11  }
0x17f: {  	v27 =	vand.u32 v10, v27  }
0x180: {  	v28 =	vor.u32 s12, v12  }
0x181: {  	v29 =	vor.u32 s12, v13;
	s9 =	sadd.s32 $0x10, s9;
	v30 =	vpop (erf)  }
0x182: {  	v31 =	vor.u32 s12, v14;
	[tilespmem:s9+$0x0] =	vst v30  }
0x183: {  	v51 =	vor.u32 s12, v15;
	v26 =	vld.idx.msk [tilespmem:v26+s31+$0x0], $0xffff  }
0x184: {  	v32 =	vor.u32 s12, v16;
	v27 =	vld.idx.msk [tilespmem:v27+s31+$0x0], $0xffff  }
0x185: {  	v33 =	vor.u32 s12, v17;
	v28 =	vld.idx.msk [tilespmem:v28+s31+$0x0], $0xffff  }
0x186: {  	v34 =	vor.u32 s12, v18;
	v29 =	vld.idx.msk [tilespmem:v29+s31+$0x0], $0xffff  }
0x187: {  	v35 =	vor.u32 s12, v19;
	v31 =	vld.idx.msk [tilespmem:v31+s31+$0x0], $0xffff  }
0x188: {  	v36 =	vor.u32 s12, v20;
	v30 =	vld.idx.msk [tilespmem:v51+s31+$0x0], $0xffff  }
0x189: {  	v37 =	vor.u32 s12, v21;
	v32 =	vld.idx.msk [tilespmem:v32+s31+$0x0], $0xffff;
	v26 =	vmax.f32 v27, v26  }
0x18a: {  	v52 =	vor.u32 s12, v22;
	v27 =	vld.idx.msk [tilespmem:v33+s31+$0x0], $0xffff;
	v26 =	vmax.f32 v26, v28  }
0x18b: {  	v54 =	vor.u32 s12, v23;
	v53 =	vld.idx.msk [tilespmem:v34+s31+$0x0], $0xffff;
	v26 =	vmax.f32 v26, v29  }
0x18c: {  	v56 =	vor.u32 s12, v24;
	v55 =	vld.idx.msk [tilespmem:v35+s31+$0x0], $0xffff;
	v26 =	vmax.f32 v26, v31  }
0x18d: {  	v58 =	vor.u32 s12, v25;
	v57 =	vld.idx.msk [tilespmem:v36+s31+$0x0], $0xffff;
	v26 =	vmax.f32 v26, v30  }
0x18e: {  	v59 =	vld.idx.msk [tilespmem:v37+s31+$0x0], $0xffff;
	v26 =	vmax.f32 v26, v32  }
0x18f: {  	v60 =	vld.idx.msk [tilespmem:v52+s31+$0x0], $0xffff;
	v26 =	vmax.f32 v26, v27  }
0x190: {  	v27 =	vld.idx.msk [tilespmem:v54+s31+$0x0], $0xffff;
	v26 =	vmax.f32 v26, v53  }
0x191: {  	v61 =	vld.idx.msk [tilespmem:v56+s31+$0x0], $0xffff;
	v26 =	vmax.f32 v26, v55  }
0x192: {  	v62 =	vld.idx.msk [tilespmem:v58+s31+$0x0], $0xffff;
	v26 =	vmax.f32 v26, v57  }
0x193: {  	v63 =	vld [tilespmem:$0x13100];
	v26 =	vmax.f32 v26, v59  }
0x194: {  	v26 =	vmax.f32 v26, v60  }
0x195: {  	v26 =	vmax.f32 v26, v27  }
0x196: {  	v26 =	vmax.f32 v26, v61  }
0x197: {  	v26 =	vmax.f32 v26, v62  }
0x198: {  	v26 =	vadd.f32 v63, v26;
	_ =	sdelay $0x1  }
0x199: {  	v26 =	vsub.f32 $0.0e+00, v26;
	_ =	sdelay $0x1  }
0x19a: {  	v26 =	vmul.f32 $1.442695020e+00, v26;
	_ =	sdelay $0x1  }
0x19b: {  	(erf) = vpow2.f32 v26;
	_ =	sdelay $0x8  }
0x19c: {  	v26 =	vpop (erf)  }
0x19d: {  	v26 =	vadd.f32 $1.000000000e+00, v26;
	_ =	sdelay $0x1  }
0x19e: {  	(erf) = vrcp.f32 v26;
	_ =	sdelay $0x7  }
0x19f: {  	s0 =	sadd.s32 $0x1, s0  }
0x1a0: {  	p0 =	sne.s32 s0, s7;
	s9 =	sadd.s32 $0x10, s9;
	v26 =	vpop (erf)  }
.Ltmp3:
0x1a1: {  	[tilespmem:s9+$0x0] =	vst v26;
	(pc) =	sbr.rel @p0 .LBB2_1-.Ltmp3, $4  }
0x1a2: {  	[hbm4b:s6+s2] =	stream.linear.scatter [tilespmem:s1], [sflag:$0x2], $0x100, $0x38;
	[tilespmem:$0x13180] =	vst v63  }
0x1a3: {  	_ =	swait.ge [sflag:s8], $0x100  }
0x1a4: {  	[sflag:s8] =	ssyncset.done $0x0  }
0x1a5: {  	[sflag:s8] =	ssyncadd.s32 $0xFFFFFF00  }
0x1a6: {  	_ =	sfence.sel $0x180000  }
0x1a7: {  	[bflag:$0x0] =	sbarrier.arrive $0xFFFF  }
0x1a8: {  	_ =	strace $0x90000047  }
0x1a9: {  	s0 =	stileid.u32;
	[bflag:$0x2] =	sbarrier.arrive $0xFFFF  }
0x1aa: {  	p0 =	sne.s32 s0, $0x0;
	s0 =	rddreg [dreg:$0x2]  }
0x1ab: {  	s0 =	sadd.s32 @!p0 $0x100000, s0  }
0x1ac: {  	[sflag:s0] =	ssyncadd.tile.s32 @!p0 $0x1;
	_ =	shalt  }
.Lfunc_end2:
_tile_overlayer_lowered:
.L_overlay_start_2:
0x1ad: {  	(tag) =	ssettag $0x2  }
0x1ae: {  	s0 =	rddreg [dreg:$0x0];
	s2 =	stileid.u32  }
0x1af: {  	s1 =	rddreg [dreg:$0x1];
	p0 =	sne.s32 s2, $0x0  }
0x1b0: {  	s3 =	rddreg [dreg:$0x2];
	[bflag:$0x3] =	sbarrier.arrive $0xFFFF;
	s2 =	simm.s32 @!p0 $0x1C02  }
0x1b1: {  	[timem:s3], [sflag:s2] =	dma.local @!p0 [hbm:s0], s1  }
0x1b2: {  	s0 =	simm.s32 @!p0 $0x2  }
0x1b3: {  	_ =	swait.ge @!p0 [sflag:s0], s1  }
0x1b4: {  	s1 =	ssub.s32 @!p0 $0x0, s1;
	[sflag:s0] =	ssyncset.done @!p0 $0x0  }
0x1b5: {  	[sflag:s0] =	ssyncadd.s32 @!p0 s1  }
0x1b6: {  	[bflag:$0x3] =	sbarrier.arrive $0xFFFF  }
0x1b7: {  	_ =	shalt  }

</sc_bundles>
